<compile_context>
chip_gen: v7x
topology: tpu7x:2x2x1
jax: 0.10.2.dev20260603
libtpu: 0.0.44.dev20260713+nightly
codegen_flags: <defaults>
</compile_context>

<pallas_src>
import functools

import jax
import jax.numpy as jnp
from jax import lax
from jax.experimental import pallas as pl
from jax.experimental.pallas import tpu as pltpu
from jax.experimental.pallas import tpu_sc as plsc

N_NODES = 10000
D = 128
COLS = D // 2
N_EDGES = 320000

NC = 2
NS = 16
CHUNK = 128
EDGES_PER_TILE = N_EDGES // NS
CHUNKS_PER_TILE = 158
IDX_ROWS = CHUNKS_PER_TILE + 2
PAD_EPT = IDX_ROWS * CHUNK
ACC_ROWS = 10240
ROWS_PER_TILE = ACC_ROWS // NS
OUT_ROWS_LAST = N_NODES - (NS - 1) * ROWS_PER_TILE
CNT_W = 16
DUMMY = N_NODES
ZROWS = 128
TC_BLK = 1000

_MESH = plsc.VectorSubcoreMesh(core_axis_name="c", subcore_axis_name="s")
_CP = pltpu.CompilerParams(use_tc_tiling_on_sc=False)


@functools.partial(
    pl.kernel,
    out_type=jax.ShapeDtypeStruct((NC, N_NODES, COLS), jnp.float32),
    mesh=_MESH,
    scratch_types=[
        pltpu.VMEM((IDX_ROWS, CHUNK), jnp.int32),
        pltpu.VMEM((2, CHUNK), jnp.int32),
        pltpu.VMEM((2, CHUNK), jnp.int32),
        pltpu.VMEM((CHUNK, COLS), jnp.float32),
        pltpu.VMEM((CHUNK, COLS), jnp.float32),
        pltpu.VMEM((ZROWS, COLS), jnp.float32),
        pltpu.VMEM_SHARED((ACC_ROWS, COLS), jnp.float32),
        pltpu.SemaphoreType.DMA,
        pltpu.SemaphoreType.DMA,
    ],
    compiler_params=_CP,
)
def _sc_feat(xc_hbm, packp_hbm, acc_out,
             packv, srcrow, dstrow, rows_a, rows_b, zblk, accsh,
             sem_a, sem_b):
    c = lax.axis_index("c")
    s = lax.axis_index("s")
    base = s * ROWS_PER_TILE

    @pl.loop(0, ZROWS)
    def _(i):
        @pl.loop(0, COLS, step=16)
        def _(j):
            zblk[i, pl.ds(j, 16)] = jnp.zeros((16,), jnp.float32)

    @pl.loop(0, ROWS_PER_TILE, step=ZROWS)
    def _(r):
        pltpu.sync_copy(zblk, accsh.at[pl.ds(base + r, ZROWS)])

    pltpu.sync_copy(packp_hbm.at[s], packv)
    plsc.subcore_barrier()

    def _unpack(j, buf):
        @pl.loop(0, CHUNK, step=16)
        def _(k):
            v = packv[j, pl.ds(k, 16)]
            srcrow[buf, pl.ds(k, 16)] = lax.bitwise_and(v, 0xFFFF)
            dstrow[buf, pl.ds(k, 16)] = lax.shift_right_logical(v, 16)

    def _gather(buf, rows, sem):
        return pltpu.async_copy(xc_hbm.at[c].at[srcrow.at[buf]], rows, sem)

    _unpack(0, 0)
    _gather(0, rows_a, sem_a)

    @pl.loop(0, CHUNKS_PER_TILE, step=2)
    def _(j):
        _unpack(j + 1, 1)
        _gather(1, rows_b, sem_b)
        pltpu.make_async_copy(xc_hbm.at[c].at[srcrow.at[0]], rows_a,
                              sem_a).wait()
        pltpu.sync_copy(rows_a, accsh.at[dstrow.at[0]], add=True)
        _unpack(j + 2, 0)
        _gather(0, rows_a, sem_a)
        pltpu.make_async_copy(xc_hbm.at[c].at[srcrow.at[1]], rows_b,
                              sem_b).wait()
        pltpu.sync_copy(rows_b, accsh.at[dstrow.at[1]], add=True)

    pltpu.make_async_copy(xc_hbm.at[c].at[srcrow.at[0]], rows_a,
                          sem_a).wait()
    plsc.subcore_barrier()

    @pl.when(s < NS - 1)
    def _():
        pltpu.sync_copy(accsh.at[pl.ds(base, ROWS_PER_TILE)],
                        acc_out.at[c, pl.ds(base, ROWS_PER_TILE)])

    @pl.when(s == NS - 1)
    def _():
        pltpu.sync_copy(accsh.at[pl.ds(base, OUT_ROWS_LAST)],
                        acc_out.at[c, pl.ds(base, OUT_ROWS_LAST)])


@functools.partial(
    pl.kernel,
    out_type=jax.ShapeDtypeStruct((NC, N_NODES, CNT_W), jnp.float32),
    mesh=_MESH,
    scratch_types=[
        pltpu.VMEM((IDX_ROWS, CHUNK), jnp.int32),
        pltpu.VMEM((1, CHUNK), jnp.int32),
        pltpu.VMEM((CHUNK, CNT_W), jnp.float32),
        pltpu.VMEM((ZROWS, CNT_W), jnp.float32),
        pltpu.VMEM_SHARED((ACC_ROWS, CNT_W), jnp.float32),
    ],
    compiler_params=_CP,
)
def _sc_count(packp_hbm, cnt_out, packv, dstrow, onesv, zblk, cntsh):
    c = lax.axis_index("c")
    s = lax.axis_index("s")
    base = s * ROWS_PER_TILE

    @pl.loop(0, ZROWS)
    def _(i):
        zblk[i, :] = jnp.zeros((CNT_W,), jnp.float32)

    @pl.loop(0, CHUNK)
    def _(i):
        onesv[i, :] = jnp.ones((CNT_W,), jnp.float32)

    @pl.loop(0, ROWS_PER_TILE, step=ZROWS)
    def _(r):
        pltpu.sync_copy(zblk, cntsh.at[pl.ds(base + r, ZROWS)])

    pltpu.sync_copy(packp_hbm.at[s], packv)
    plsc.subcore_barrier()

    @pl.loop(0, CHUNKS_PER_TILE)
    def _(j):
        @pl.loop(0, CHUNK, step=16)
        def _(k):
            dstrow[0, pl.ds(k, 16)] = lax.shift_right_logical(
                packv[j, pl.ds(k, 16)], 16)

        pltpu.sync_copy(onesv, cntsh.at[dstrow.at[0]], add=True)

    plsc.subcore_barrier()

    @pl.when(s < NS - 1)
    def _():
        pltpu.sync_copy(cntsh.at[pl.ds(base, ROWS_PER_TILE)],
                        cnt_out.at[c, pl.ds(base, ROWS_PER_TILE)])

    @pl.when(s == NS - 1)
    def _():
        pltpu.sync_copy(cntsh.at[pl.ds(base, OUT_ROWS_LAST)],
                        cnt_out.at[c, pl.ds(base, OUT_ROWS_LAST)])


def _tc_body(relu, split_out, acc_ref, cnt_ref, x_ref, wl_ref, b_ref,
             wr_ref, o_ref):
    agg = jnp.concatenate([acc_ref[0], acc_ref[1]], axis=1)
    xv = jnp.concatenate([x_ref[0], x_ref[1]], axis=1)
    csum = (cnt_ref[0, :, 0:1] + cnt_ref[1, :, 0:1]) * 0.5
    agg = agg / jnp.maximum(csum, 1.0)
    y = jnp.dot(agg, wl_ref[...], preferred_element_type=jnp.float32)
    y = y + b_ref[...] + jnp.dot(xv, wr_ref[...],
                                 preferred_element_type=jnp.float32)
    if relu:
        y = jnp.maximum(y, 0.0)
    if split_out:
        o_ref[0] = y[:, :COLS]
        o_ref[1] = y[:, COLS:]
    else:
        o_ref[...] = y


def _tc_combine(acc, cnt, xc, wl_t, b2d, wr_t, relu, split_out):
    if split_out:
        out_shape = jax.ShapeDtypeStruct((NC, N_NODES, COLS), jnp.float32)
        out_spec = pl.BlockSpec((NC, TC_BLK, COLS), lambda i: (0, i, 0))
    else:
        out_shape = jax.ShapeDtypeStruct((N_NODES, D), jnp.float32)
        out_spec = pl.BlockSpec((TC_BLK, D), lambda i: (i, 0))
    return pl.pallas_call(
        functools.partial(_tc_body, relu, split_out),
        grid=(N_NODES // TC_BLK,),
        in_specs=[
            pl.BlockSpec((NC, TC_BLK, COLS), lambda i: (0, i, 0)),
            pl.BlockSpec((NC, TC_BLK, CNT_W), lambda i: (0, i, 0)),
            pl.BlockSpec((NC, TC_BLK, COLS), lambda i: (0, i, 0)),
            pl.BlockSpec((D, D), lambda i: (0, 0)),
            pl.BlockSpec((1, D), lambda i: (0, 0)),
            pl.BlockSpec((D, D), lambda i: (0, 0)),
        ],
        out_specs=out_spec,
        out_shape=out_shape,
    )(acc, cnt, xc, wl_t, b2d, wr_t)


@jax.jit
def kernel(x, edge_index, W1_l, b1_l, W1_r, W2_l, b2_l, W2_r):
    src = edge_index[0].astype(jnp.int32)
    dst = edge_index[1].astype(jnp.int32)
    packed = jnp.bitwise_or(jnp.left_shift(dst, 16), src)
    packed = packed.reshape(NS, EDGES_PER_TILE)
    pad = PAD_EPT - EDGES_PER_TILE
    packp = jnp.pad(packed, ((0, 0), (0, pad)),
                    constant_values=DUMMY << 16
                    ).reshape(NS, IDX_ROWS, CHUNK)

    xc = jnp.stack([x[:, :COLS], x[:, COLS:]], axis=0)

    cnt = _sc_count(packp)
    acc1 = _sc_feat(xc, packp)
    hc = _tc_combine(acc1, cnt, xc, W1_l.T, b1_l.reshape(1, D), W1_r.T,
                     relu=True, split_out=True)
    acc2 = _sc_feat(hc, packp)
    return _tc_combine(acc2, cnt, hc, W2_l.T, b2_l.reshape(1, D), W2_r.T,
                       relu=False, split_out=False)

# --- scband reference (transcript-rebuilt; emitter-appended) ---
"""Pipeline reference for scband-graph-sage-64476049047967 (READ-ONLY COPY).

The authoritative reference and input builder live on the scoring server;
editing this copy changes nothing except your own understanding.
"""

import jax, jax.numpy as jnp
import numpy as np

N_NODES = 10000
D_FEAT = 128
N_EDGES = 320000
HIDDEN = [128, 128]


def _sage_conv(x, edge_index, W_l, b_l, W_r):
    # PyG-style SAGEConv with mean aggregation:
    # out = lin_l(mean_{j in N(i)} x_j) + lin_r(x_i)
    src = edge_index[0]
    dst = edge_index[1]
    msgs = jnp.take(x, src, axis=0)
    agg = jax.ops.segment_sum(msgs, dst, num_segments=x.shape[0])
    cnt = jax.ops.segment_sum(jnp.ones((edge_index.shape[1],), dtype=x.dtype), dst, num_segments=x.shape[0])
    agg = agg / jnp.maximum(cnt, 1.0)[:, None]
    return agg @ W_l.T + b_l + x @ W_r.T


def setup_inputs(seed: int = 0) -> dict:
    key = jax.random.key(seed)
    k_x, k_e, k1, k2, k3, k4 = jax.random.split(key, 6)
    x = jax.random.normal(k_x, (N_NODES, D_FEAT), dtype=jnp.float32)
    edge_index = jax.random.randint(k_e, (2, N_EDGES), 0, N_NODES, dtype=jnp.int64)
    s = 1.0 / np.sqrt(D_FEAT)
    W1_l = jax.random.uniform(k1, (HIDDEN[0], D_FEAT), dtype=jnp.float32, minval=-s, maxval=s)
    b1_l = jnp.zeros((HIDDEN[0],), dtype=jnp.float32)
    W1_r = jax.random.uniform(k2, (HIDDEN[0], D_FEAT), dtype=jnp.float32, minval=-s, maxval=s)
    s2 = 1.0 / np.sqrt(HIDDEN[0])
    W2_l = jax.random.uniform(k3, (HIDDEN[1], HIDDEN[0]), dtype=jnp.float32, minval=-s2, maxval=s2)
    b2_l = jnp.zeros((HIDDEN[1],), dtype=jnp.float32)
    W2_r = jax.random.uniform(k4, (HIDDEN[1], HIDDEN[0]), dtype=jnp.float32, minval=-s2, maxval=s2)
    return {"x": x, "edge_index": edge_index,
            "W1_l": W1_l, "b1_l": b1_l, "W1_r": W1_r,
            "W2_l": W2_l, "b2_l": b2_l, "W2_r": W2_r}


def reference(x, edge_index, W1_l, b1_l, W1_r, W2_l, b2_l, W2_r):
    # layer 1 + relu (dropout p=0.0 -> identity)
    h = jax.nn.relu(_sage_conv(x, edge_index, W1_l, b1_l, W1_r))
    # layer 2 (logits), dropout p=0.0 -> identity
    logits = _sage_conv(h, edge_index, W2_l, b2_l, W2_r)
    return logits

if __name__ == "__main__":
    import jax
    _d = setup_inputs()
    print(jax.jit(kernel)(*tuple(_d.values())))

</pallas_src>

<mosaic_0001>
#map = affine_map<(d0, d1) -> (0, 0, 0)>
module attributes {stable_mosaic.version = 14 : i64} {
  func.func @_sc_feat(%arg0: i32, %arg1: i32, %arg2: memref<2x10000x64xf32, #tpu.memory_space<hbm>>, %arg3: memref<16x160x128xi32, #tpu.memory_space<hbm>>, %arg4: memref<2x10000x64xf32, #tpu.memory_space<hbm>>, %arg5: memref<160x128xi32, #tpu.memory_space<vmem>>, %arg6: memref<2x128xi32, #tpu.memory_space<vmem>>, %arg7: memref<2x128xi32, #tpu.memory_space<vmem>>, %arg8: memref<128x64xf32, #tpu.memory_space<vmem>>, %arg9: memref<128x64xf32, #tpu.memory_space<vmem>>, %arg10: memref<128x64xf32, #tpu.memory_space<vmem>>, %arg11: memref<10240x64xf32, #tpu.memory_space<vmem_shared>>, %arg12: memref<!tpu.dma_semaphore, #tpu.memory_space<semaphore_mem>>, %arg13: memref<!tpu.dma_semaphore, #tpu.memory_space<semaphore_mem>>) attributes {dimension_semantics = [#tpu.dimension_semantics<core_parallel>, #tpu.dimension_semantics<subcore_parallel>], iteration_bounds = array<i64: 2, 16>, scalar_prefetch = 0 : i64, scratch_operands = 9 : i64, tpu.core_type = #tpu.core_type<sc_vector_subcore>, window_params = [{transform_indices = #map}, {transform_indices = #map}, {transform_indices = #map}]} {
    %mul3A = arith.constant 640 : i32
    %mul3A_0 = arith.muli %arg1, %mul3A : i32
    %scan3A = arith.constant 0 : i32
    %scan3A_1 = arith.constant 128 : i32
    %scan3A_2 = arith.addi %scan3A, %scan3A_1 : i32
    %scan3A_3 = arith.constant 1 : i32
    scf.for %scan3A_47 = %scan3A to %scan3A_2 step %scan3A_3  : i32 {
      %mul3A_48 = arith.constant 1 : i32
      %mul3A_49 = arith.muli %scan3A_47, %mul3A_48 : i32
      %add3A = arith.constant 0 : i32
      %add3A_50 = arith.addi %add3A, %mul3A_49 : i32
      %scan3A_51 = arith.constant 0 : i32
      %scan3A_52 = arith.constant 4 : i32
      %scan3A_53 = arith.addi %scan3A_51, %scan3A_52 : i32
      %scan3A_54 = arith.constant 1 : i32
      scf.for %scan3A_56 = %scan3A_51 to %scan3A_53 step %scan3A_54  : i32 {
        %mul3A_57 = arith.constant 16 : i32
        %mul3A_58 = arith.muli %scan3A_56, %mul3A_57 : i32
        %add3A_59 = arith.constant 0 : i32
        %add3A_60 = arith.addi %add3A_59, %mul3A_58 : i32
        %broadcast_in_dim3A = arith.constant 0.000000e+00 : f32
        %broadcast_in_dim3A_61 = vector.broadcast %broadcast_in_dim3A : f32 to vector<16xf32>
        %swap3A = arith.index_cast %add3A_50 : i32 to index
        %swap3A_62 = arith.index_cast %add3A_60 : i32 to index
        %swap3A_63 = tpu.vector_load %arg10[%swap3A, %swap3A_62] {strides = array<i32>} : memref<128x64xf32, #tpu.memory_space<vmem>>, vector<1x16xf32>,
        %swap3A_64 = vector.shape_cast %swap3A_63 : vector<1x16xf32> to vector<16xf32>
        %swap3A_65 = vector.shape_cast %broadcast_in_dim3A_61 : vector<16xf32> to vector<1x16xf32>
        tpu.vector_store %arg10[%swap3A, %swap3A_62], %swap3A_65 {strides = array<i32>} : memref<128x64xf32, #tpu.memory_space<vmem>>, vector<1x16xf32>,
      }
      %scan3A_55 = arith.constant 4 : i32
    }
    %scan3A_4 = arith.constant 128 : i32
    %scan3A_5 = arith.constant 0 : i32
    %scan3A_6 = arith.constant 5 : i32
    %scan3A_7 = arith.addi %scan3A_5, %scan3A_6 : i32
    %scan3A_8 = arith.constant 1 : i32
    scf.for %scan3A_47 = %scan3A_5 to %scan3A_7 step %scan3A_8  : i32 {
      %mul3A_48 = arith.constant 128 : i32
      %mul3A_49 = arith.muli %scan3A_47, %mul3A_48 : i32
      %add3A = arith.constant 0 : i32
      %add3A_50 = arith.addi %add3A, %mul3A_49 : i32
      %add3A_51 = arith.addi %mul3A_0, %add3A_50 : i32
      "tpu.region"() ({
        %run_scoped3A = tpu.sem_alloc : memref<!tpu.dma_semaphore, #tpu.memory_space<semaphore_mem>>
        %dma_start3A_52 = arith.constant 0 : i32
        %dma_start3A_53 = tpu.memref_slice %arg11[%add3A_51, %dma_start3A_52] : memref<10240x64xf32, #tpu.memory_space<vmem_shared>> -> memref<128x64xf32, #tpu.memory_space<vmem_shared>>
        %dma_start3A_54 = arith.constant 0 : i32
        %dma_start3A_55 = tpu.memref_slice %arg11[%add3A_51, %dma_start3A_54] : memref<10240x64xf32, #tpu.memory_space<vmem_shared>> -> memref<128x64xf32, #tpu.memory_space<vmem_shared>>
        tpu.enqueue_dma source(%arg10 : memref<128x64xf32, #tpu.memory_space<vmem>>) target(%dma_start3A_55 : memref<128x64xf32, #tpu.memory_space<vmem_shared>>) target_semaphore(%run_scoped3A : memref<!tpu.dma_semaphore, #tpu.memory_space<semaphore_mem>>)
        %dma_wait3A_56 = arith.constant 0 : i32
        %dma_wait3A_57 = tpu.memref_slice %arg11[%add3A_51, %dma_wait3A_56] : memref<10240x64xf32, #tpu.memory_space<vmem_shared>> -> memref<128x64xf32, #tpu.memory_space<vmem_shared>>
        %dma_wait3A_58 = arith.constant 0 : i32
        %dma_wait3A_59 = tpu.memref_slice %arg11[%add3A_51, %dma_wait3A_58] : memref<10240x64xf32, #tpu.memory_space<vmem_shared>> -> memref<128x64xf32, #tpu.memory_space<vmem_shared>>
        tpu.wait_dma2 semaphore(%run_scoped3A : memref<!tpu.dma_semaphore, #tpu.memory_space<semaphore_mem>>) src(%arg10 : memref<128x64xf32, #tpu.memory_space<vmem>>) dst(%dma_wait3A_59 : memref<128x64xf32, #tpu.memory_space<vmem_shared>>)
        tpu.yield
      }) : () -> ()
    }
    %scan3A_9 = arith.constant 5 : i32
    "tpu.region"() ({
      %run_scoped3A = tpu.sem_alloc : memref<!tpu.dma_semaphore, #tpu.memory_space<semaphore_mem>>
      %dma_start3A_47 = arith.constant 0 : i32
      %dma_start3A_48 = arith.constant 0 : i32
      %dma_start3A_49 = tpu.memref_slice %arg3[%arg1, %dma_start3A_47, %dma_start3A_48] : memref<16x160x128xi32, #tpu.memory_space<hbm>> -> memref<1x160x128xi32, #tpu.memory_space<hbm>>
      %dma_start3A_50 = tpu.memref_squeeze %dma_start3A_49 : memref<1x160x128xi32, #tpu.memory_space<hbm>> -> memref<160x128xi32, #tpu.memory_space<hbm>>
      %dma_start3A_51 = arith.constant 0 : i32
      %dma_start3A_52 = arith.constant 0 : i32
      %dma_start3A_53 = tpu.memref_slice %arg3[%arg1, %dma_start3A_51, %dma_start3A_52] : memref<16x160x128xi32, #tpu.memory_space<hbm>> -> memref<1x160x128xi32, #tpu.memory_space<hbm>>
      %dma_start3A_54 = tpu.memref_squeeze %dma_start3A_53 : memref<1x160x128xi32, #tpu.memory_space<hbm>> -> memref<160x128xi32, #tpu.memory_space<hbm>>
      tpu.enqueue_dma source(%dma_start3A_54 : memref<160x128xi32, #tpu.memory_space<hbm>>) target(%arg5 : memref<160x128xi32, #tpu.memory_space<vmem>>) target_semaphore(%run_scoped3A : memref<!tpu.dma_semaphore, #tpu.memory_space<semaphore_mem>>)
      %dma_wait3A_55 = arith.constant 0 : i32
      %dma_wait3A_56 = arith.constant 0 : i32
      %dma_wait3A_57 = tpu.memref_slice %arg3[%arg1, %dma_wait3A_55, %dma_wait3A_56] : memref<16x160x128xi32, #tpu.memory_space<hbm>> -> memref<1x160x128xi32, #tpu.memory_space<hbm>>
      %dma_wait3A_58 = tpu.memref_squeeze %dma_wait3A_57 : memref<1x160x128xi32, #tpu.memory_space<hbm>> -> memref<160x128xi32, #tpu.memory_space<hbm>>
      %dma_wait3A_59 = arith.constant 0 : i32
      %dma_wait3A_60 = arith.constant 0 : i32
      %dma_wait3A_61 = tpu.memref_slice %arg3[%arg1, %dma_wait3A_59, %dma_wait3A_60] : memref<16x160x128xi32, #tpu.memory_space<hbm>> -> memref<1x160x128xi32, #tpu.memory_space<hbm>>
      %dma_wait3A_62 = tpu.memref_squeeze %dma_wait3A_61 : memref<1x160x128xi32, #tpu.memory_space<hbm>> -> memref<160x128xi32, #tpu.memory_space<hbm>>
      tpu.wait_dma2 semaphore(%run_scoped3A : memref<!tpu.dma_semaphore, #tpu.memory_space<semaphore_mem>>) src(%dma_wait3A_62 : memref<160x128xi32, #tpu.memory_space<hbm>>) dst(%arg5 : memref<160x128xi32, #tpu.memory_space<vmem>>)
      tpu.yield
    }) : () -> ()
    %barrier3A = arith.constant 0 : index
    tpu.barrier barrier_id(%barrier3A)
    %scan3A_10 = arith.constant 0 : i32
    %scan3A_11 = arith.constant 8 : i32
    %scan3A_12 = arith.addi %scan3A_10, %scan3A_11 : i32
    %scan3A_13 = arith.constant 1 : i32
    scf.for %scan3A_47 = %scan3A_10 to %scan3A_12 step %scan3A_13  : i32 {
      %mul3A_48 = arith.constant 16 : i32
      %mul3A_49 = arith.muli %scan3A_47, %mul3A_48 : i32
      %add3A = arith.constant 0 : i32
      %add3A_50 = arith.addi %add3A, %mul3A_49 : i32
      %get3A = arith.constant 0 : i32
      %get3A_51 = arith.index_cast %get3A : i32 to index
      %get3A_52 = arith.index_cast %add3A_50 : i32 to index
      %get3A_53 = tpu.vector_load %arg5[%get3A_51, %get3A_52] {strides = array<i32>} : memref<160x128xi32, #tpu.memory_space<vmem>>, vector<1x16xi32>,
      %get3A_54 = vector.shape_cast %get3A_53 : vector<1x16xi32> to vector<16xi32>
      %and3A = arith.constant 65535 : i32
      %and3A_55 = vector.broadcast %and3A : i32 to vector<16xi32>
      %and3A_56 = arith.andi %get3A_54, %and3A_55 : vector<16xi32>
      %swap3A = arith.constant 0 : i32
      %swap3A_57 = arith.index_cast %swap3A : i32 to index
      %swap3A_58 = arith.index_cast %add3A_50 : i32 to index
      %swap3A_59 = tpu.vector_load %arg6[%swap3A_57, %swap3A_58] {strides = array<i32>} : memref<2x128xi32, #tpu.memory_space<vmem>>, vector<1x16xi32>,
      %swap3A_60 = vector.shape_cast %swap3A_59 : vector<1x16xi32> to vector<16xi32>
      %swap3A_61 = vector.shape_cast %and3A_56 : vector<16xi32> to vector<1x16xi32>
      tpu.vector_store %arg6[%swap3A_57, %swap3A_58], %swap3A_61 {strides = array<i32>} : memref<2x128xi32, #tpu.memory_space<vmem>>, vector<1x16xi32>,
      %shift_right_logical3A = arith.constant 16 : i32
      %shift_right_logical3A_62 = vector.broadcast %shift_right_logical3A : i32 to vector<16xi32>
      %shift_right_logical3A_63 = arith.shrui %get3A_54, %shift_right_logical3A_62 : vector<16xi32>
      %swap3A_64 = arith.constant 0 : i32
      %swap3A_65 = arith.index_cast %swap3A_64 : i32 to index
      %swap3A_66 = arith.index_cast %add3A_50 : i32 to index
      %swap3A_67 = tpu.vector_load %arg7[%swap3A_65, %swap3A_66] {strides = array<i32>} : memref<2x128xi32, #tpu.memory_space<vmem>>, vector<1x16xi32>,
      %swap3A_68 = vector.shape_cast %swap3A_67 : vector<1x16xi32> to vector<16xi32>
      %swap3A_69 = vector.shape_cast %shift_right_logical3A_63 : vector<16xi32> to vector<1x16xi32>
      tpu.vector_store %arg7[%swap3A_65, %swap3A_66], %swap3A_69 {strides = array<i32>} : memref<2x128xi32, #tpu.memory_space<vmem>>, vector<1x16xi32>,
    }
    %scan3A_14 = arith.constant 8 : i32
    %dma_start3A = arith.constant 0 : i32
    %dma_start3A_15 = arith.constant 0 : i32
    %dma_start3A_16 = tpu.memref_slice %arg6[%dma_start3A, %dma_start3A_15] : memref<2x128xi32, #tpu.memory_space<vmem>> -> memref<1x128xi32, #tpu.memory_space<vmem>>
    %dma_start3A_17 = tpu.memref_squeeze %dma_start3A_16 : memref<1x128xi32, #tpu.memory_space<vmem>> -> memref<128xi32, #tpu.memory_space<vmem>>
    %dma_start3A_18 = arith.constant 0 : i32
    %dma_start3A_19 = arith.constant 0 : i32
    %dma_start3A_20 = tpu.memref_slice %arg2[%arg0, %dma_start3A_18, %dma_start3A_19] : memref<2x10000x64xf32, #tpu.memory_space<hbm>> -> memref<1x10000x64xf32, #tpu.memory_space<hbm>>
    %dma_start3A_21 = tpu.memref_squeeze %dma_start3A_20 : memref<1x10000x64xf32, #tpu.memory_space<hbm>> -> memref<10000x64xf32, #tpu.memory_space<hbm>>
    %dma_start3A_22 = arith.constant 0 : i32
    %dma_start3A_23 = arith.constant 0 : i32
    %dma_start3A_24 = tpu.memref_slice %dma_start3A_21[%dma_start3A_22, %dma_start3A_23] : memref<10000x64xf32, #tpu.memory_space<hbm>> -> memref<10000x64xf32, #tpu.memory_space<hbm>>
    tpu.enqueue_indirect_dma source(%dma_start3A_24 : memref<10000x64xf32, #tpu.memory_space<hbm>>) target(%arg8 : memref<128x64xf32, #tpu.memory_space<vmem>>) offsets(%dma_start3A_17 : memref<128xi32, #tpu.memory_space<vmem>>) semaphore(%arg12 : memref<!tpu.dma_semaphore, #tpu.memory_space<semaphore_mem>>)
    %scan3A_25 = arith.constant 0 : i32
    %scan3A_26 = arith.constant 79 : i32
    %scan3A_27 = arith.addi %scan3A_25, %scan3A_26 : i32
    %scan3A_28 = arith.constant 1 : i32
    scf.for %scan3A_47 = %scan3A_25 to %scan3A_27 step %scan3A_28  : i32 {
      %mul3A_48 = arith.constant 2 : i32
      %mul3A_49 = arith.muli %scan3A_47, %mul3A_48 : i32
      %add3A = arith.constant 0 : i32
      %add3A_50 = arith.addi %add3A, %mul3A_49 : i32
      %add3A_51 = arith.constant 1 : i32
      %add3A_52 = arith.addi %add3A_50, %add3A_51 : i32
      %scan3A_53 = arith.constant 0 : i32
      %scan3A_54 = arith.constant 8 : i32
      %scan3A_55 = arith.addi %scan3A_53, %scan3A_54 : i32
      %scan3A_56 = arith.constant 1 : i32
      scf.for %scan3A_110 = %scan3A_53 to %scan3A_55 step %scan3A_56  : i32 {
        %mul3A_111 = arith.constant 16 : i32
        %mul3A_112 = arith.muli %scan3A_110, %mul3A_111 : i32
        %add3A_113 = arith.constant 0 : i32
        %add3A_114 = arith.addi %add3A_113, %mul3A_112 : i32
        %get3A = arith.index_cast %add3A_52 : i32 to index
        %get3A_115 = arith.index_cast %add3A_114 : i32 to index
        %get3A_116 = tpu.vector_load %arg5[%get3A, %get3A_115] {strides = array<i32>} : memref<160x128xi32, #tpu.memory_space<vmem>>, vector<1x16xi32>,
        %get3A_117 = vector.shape_cast %get3A_116 : vector<1x16xi32> to vector<16xi32>
        %and3A = arith.constant 65535 : i32
        %and3A_118 = vector.broadcast %and3A : i32 to vector<16xi32>
        %and3A_119 = arith.andi %get3A_117, %and3A_118 : vector<16xi32>
        %swap3A = arith.constant 1 : i32
        %swap3A_120 = arith.index_cast %swap3A : i32 to index
        %swap3A_121 = arith.index_cast %add3A_114 : i32 to index
        %swap3A_122 = tpu.vector_load %arg6[%swap3A_120, %swap3A_121] {strides = array<i32>} : memref<2x128xi32, #tpu.memory_space<vmem>>, vector<1x16xi32>,
        %swap3A_123 = vector.shape_cast %swap3A_122 : vector<1x16xi32> to vector<16xi32>
        %swap3A_124 = vector.shape_cast %and3A_119 : vector<16xi32> to vector<1x16xi32>
        tpu.vector_store %arg6[%swap3A_120, %swap3A_121], %swap3A_124 {strides = array<i32>} : memref<2x128xi32, #tpu.memory_space<vmem>>, vector<1x16xi32>,
        %shift_right_logical3A = arith.constant 16 : i32
        %shift_right_logical3A_125 = vector.broadcast %shift_right_logical3A : i32 to vector<16xi32>
        %shift_right_logical3A_126 = arith.shrui %get3A_117, %shift_right_logical3A_125 : vector<16xi32>
        %swap3A_127 = arith.constant 1 : i32
        %swap3A_128 = arith.index_cast %swap3A_127 : i32 to index
        %swap3A_129 = arith.index_cast %add3A_114 : i32 to index
        %swap3A_130 = tpu.vector_load %arg7[%swap3A_128, %swap3A_129] {strides = array<i32>} : memref<2x128xi32, #tpu.memory_space<vmem>>, vector<1x16xi32>,
        %swap3A_131 = vector.shape_cast %swap3A_130 : vector<1x16xi32> to vector<16xi32>
        %swap3A_132 = vector.shape_cast %shift_right_logical3A_126 : vector<16xi32> to vector<1x16xi32>
        tpu.vector_store %arg7[%swap3A_128, %swap3A_129], %swap3A_132 {strides = array<i32>} : memref<2x128xi32, #tpu.memory_space<vmem>>, vector<1x16xi32>,
      }
      %scan3A_57 = arith.constant 8 : i32
      %dma_start3A_58 = arith.constant 1 : i32
      %dma_start3A_59 = arith.constant 0 : i32
      %dma_start3A_60 = tpu.memref_slice %arg6[%dma_start3A_58, %dma_start3A_59] : memref<2x128xi32, #tpu.memory_space<vmem>> -> memref<1x128xi32, #tpu.memory_space<vmem>>
      %dma_start3A_61 = tpu.memref_squeeze %dma_start3A_60 : memref<1x128xi32, #tpu.memory_space<vmem>> -> memref<128xi32, #tpu.memory_space<vmem>>
      %dma_start3A_62 = arith.constant 0 : i32
      %dma_start3A_63 = arith.constant 0 : i32
      %dma_start3A_64 = tpu.memref_slice %arg2[%arg0, %dma_start3A_62, %dma_start3A_63] : memref<2x10000x64xf32, #tpu.memory_space<hbm>> -> memref<1x10000x64xf32, #tpu.memory_space<hbm>>
      %dma_start3A_65 = tpu.memref_squeeze %dma_start3A_64 : memref<1x10000x64xf32, #tpu.memory_space<hbm>> -> memref<10000x64xf32, #tpu.memory_space<hbm>>
      %dma_start3A_66 = arith.constant 0 : i32
      %dma_start3A_67 = arith.constant 0 : i32
      %dma_start3A_68 = tpu.memref_slice %dma_start3A_65[%dma_start3A_66, %dma_start3A_67] : memref<10000x64xf32, #tpu.memory_space<hbm>> -> memref<10000x64xf32, #tpu.memory_space<hbm>>
      tpu.enqueue_indirect_dma source(%dma_start3A_68 : memref<10000x64xf32, #tpu.memory_space<hbm>>) target(%arg9 : memref<128x64xf32, #tpu.memory_space<vmem>>) offsets(%dma_start3A_61 : memref<128xi32, #tpu.memory_space<vmem>>) semaphore(%arg13 : memref<!tpu.dma_semaphore, #tpu.memory_space<semaphore_mem>>)
      %dma_wait3A_69 = arith.constant 0 : i32
      %dma_wait3A_70 = arith.constant 0 : i32
      %dma_wait3A_71 = tpu.memref_slice %arg6[%dma_wait3A_69, %dma_wait3A_70] : memref<2x128xi32, #tpu.memory_space<vmem>> -> memref<1x128xi32, #tpu.memory_space<vmem>>
      %dma_wait3A_72 = tpu.memref_squeeze %dma_wait3A_71 : memref<1x128xi32, #tpu.memory_space<vmem>> -> memref<128xi32, #tpu.memory_space<vmem>>
      %dma_wait3A_73 = arith.constant 0 : i32
      %dma_wait3A_74 = arith.constant 0 : i32
      %dma_wait3A_75 = tpu.memref_slice %arg2[%arg0, %dma_wait3A_73, %dma_wait3A_74] : memref<2x10000x64xf32, #tpu.memory_space<hbm>> -> memref<1x10000x64xf32, #tpu.memory_space<hbm>>
      %dma_wait3A_76 = tpu.memref_squeeze %dma_wait3A_75 : memref<1x10000x64xf32, #tpu.memory_space<hbm>> -> memref<10000x64xf32, #tpu.memory_space<hbm>>
      %dma_wait3A_77 = arith.constant 0 : i32
      %dma_wait3A_78 = arith.constant 0 : i32
      %dma_wait3A_79 = tpu.memref_slice %dma_wait3A_76[%dma_wait3A_77, %dma_wait3A_78] : memref<10000x64xf32, #tpu.memory_space<hbm>> -> memref<10000x64xf32, #tpu.memory_space<hbm>>
      tpu.wait_indirect_dma semaphore(%arg12 : memref<!tpu.dma_semaphore, #tpu.memory_space<semaphore_mem>>) src(%dma_wait3A_79 : memref<10000x64xf32, #tpu.memory_space<hbm>>) dst(%arg8 : memref<128x64xf32, #tpu.memory_space<vmem>>)
      %run_scoped3A = arith.constant 0 : i32
      "tpu.region"() ({
        %run_scoped3A_110 = tpu.sem_alloc : memref<!tpu.dma_semaphore, #tpu.memory_space<semaphore_mem>>
        %dma_start3A_111 = arith.constant 0 : i32
        %dma_start3A_112 = tpu.memref_slice %arg7[%run_scoped3A, %dma_start3A_111] : memref<2x128xi32, #tpu.memory_space<vmem>> -> memref<1x128xi32, #tpu.memory_space<vmem>>
        %dma_start3A_113 = tpu.memref_squeeze %dma_start3A_112 : memref<1x128xi32, #tpu.memory_space<vmem>> -> memref<128xi32, #tpu.memory_space<vmem>>
        %dma_start3A_114 = arith.constant 0 : i32
        %dma_start3A_115 = arith.constant 0 : i32
        %dma_start3A_116 = tpu.memref_slice %arg11[%dma_start3A_114, %dma_start3A_115] : memref<10240x64xf32, #tpu.memory_space<vmem_shared>> -> memref<10240x64xf32, #tpu.memory_space<vmem_shared>>
        tpu.enqueue_indirect_dma source(%arg8 : memref<128x64xf32, #tpu.memory_space<vmem>>) target(%dma_start3A_116 : memref<10240x64xf32, #tpu.memory_space<vmem_shared>>) offsets(%dma_start3A_113 : memref<128xi32, #tpu.memory_space<vmem>>) semaphore(%run_scoped3A_110 : memref<!tpu.dma_semaphore, #tpu.memory_space<semaphore_mem>>) {add = true}
        %dma_wait3A_117 = arith.constant 0 : i32
        %dma_wait3A_118 = tpu.memref_slice %arg7[%run_scoped3A, %dma_wait3A_117] : memref<2x128xi32, #tpu.memory_space<vmem>> -> memref<1x128xi32, #tpu.memory_space<vmem>>
        %dma_wait3A_119 = tpu.memref_squeeze %dma_wait3A_118 : memref<1x128xi32, #tpu.memory_space<vmem>> -> memref<128xi32, #tpu.memory_space<vmem>>
        %dma_wait3A_120 = arith.constant 0 : i32
        %dma_wait3A_121 = arith.constant 0 : i32
        %dma_wait3A_122 = tpu.memref_slice %arg11[%dma_wait3A_120, %dma_wait3A_121] : memref<10240x64xf32, #tpu.memory_space<vmem_shared>> -> memref<10240x64xf32, #tpu.memory_space<vmem_shared>>
        tpu.wait_indirect_dma semaphore(%run_scoped3A_110 : memref<!tpu.dma_semaphore, #tpu.memory_space<semaphore_mem>>) src(%arg8 : memref<128x64xf32, #tpu.memory_space<vmem>>) dst(%dma_wait3A_122 : memref<10240x64xf32, #tpu.memory_space<vmem_shared>>)
        tpu.yield
      }) : () -> ()
      %add3A_80 = arith.constant 2 : i32
      %add3A_81 = arith.addi %add3A_50, %add3A_80 : i32
      %scan3A_82 = arith.constant 0 : i32
      %scan3A_83 = arith.constant 8 : i32
      %scan3A_84 = arith.addi %scan3A_82, %scan3A_83 : i32
      %scan3A_85 = arith.constant 1 : i32
      scf.for %scan3A_110 = %scan3A_82 to %scan3A_84 step %scan3A_85  : i32 {
        %mul3A_111 = arith.constant 16 : i32
        %mul3A_112 = arith.muli %scan3A_110, %mul3A_111 : i32
        %add3A_113 = arith.constant 0 : i32
        %add3A_114 = arith.addi %add3A_113, %mul3A_112 : i32
        %get3A = arith.index_cast %add3A_81 : i32 to index
        %get3A_115 = arith.index_cast %add3A_114 : i32 to index
        %get3A_116 = tpu.vector_load %arg5[%get3A, %get3A_115] {strides = array<i32>} : memref<160x128xi32, #tpu.memory_space<vmem>>, vector<1x16xi32>,
        %get3A_117 = vector.shape_cast %get3A_116 : vector<1x16xi32> to vector<16xi32>
        %and3A = arith.constant 65535 : i32
        %and3A_118 = vector.broadcast %and3A : i32 to vector<16xi32>
        %and3A_119 = arith.andi %get3A_117, %and3A_118 : vector<16xi32>
        %swap3A = arith.constant 0 : i32
        %swap3A_120 = arith.index_cast %swap3A : i32 to index
        %swap3A_121 = arith.index_cast %add3A_114 : i32 to index
        %swap3A_122 = tpu.vector_load %arg6[%swap3A_120, %swap3A_121] {strides = array<i32>} : memref<2x128xi32, #tpu.memory_space<vmem>>, vector<1x16xi32>,
        %swap3A_123 = vector.shape_cast %swap3A_122 : vector<1x16xi32> to vector<16xi32>
        %swap3A_124 = vector.shape_cast %and3A_119 : vector<16xi32> to vector<1x16xi32>
        tpu.vector_store %arg6[%swap3A_120, %swap3A_121], %swap3A_124 {strides = array<i32>} : memref<2x128xi32, #tpu.memory_space<vmem>>, vector<1x16xi32>,
        %shift_right_logical3A = arith.constant 16 : i32
        %shift_right_logical3A_125 = vector.broadcast %shift_right_logical3A : i32 to vector<16xi32>
        %shift_right_logical3A_126 = arith.shrui %get3A_117, %shift_right_logical3A_125 : vector<16xi32>
        %swap3A_127 = arith.constant 0 : i32
        %swap3A_128 = arith.index_cast %swap3A_127 : i32 to index
        %swap3A_129 = arith.index_cast %add3A_114 : i32 to index
        %swap3A_130 = tpu.vector_load %arg7[%swap3A_128, %swap3A_129] {strides = array<i32>} : memref<2x128xi32, #tpu.memory_space<vmem>>, vector<1x16xi32>,
        %swap3A_131 = vector.shape_cast %swap3A_130 : vector<1x16xi32> to vector<16xi32>
        %swap3A_132 = vector.shape_cast %shift_right_logical3A_126 : vector<16xi32> to vector<1x16xi32>
        tpu.vector_store %arg7[%swap3A_128, %swap3A_129], %swap3A_132 {strides = array<i32>} : memref<2x128xi32, #tpu.memory_space<vmem>>, vector<1x16xi32>,
      }
      %scan3A_86 = arith.constant 8 : i32
      %dma_start3A_87 = arith.constant 0 : i32
      %dma_start3A_88 = arith.constant 0 : i32
      %dma_start3A_89 = tpu.memref_slice %arg6[%dma_start3A_87, %dma_start3A_88] : memref<2x128xi32, #tpu.memory_space<vmem>> -> memref<1x128xi32, #tpu.memory_space<vmem>>
      %dma_start3A_90 = tpu.memref_squeeze %dma_start3A_89 : memref<1x128xi32, #tpu.memory_space<vmem>> -> memref<128xi32, #tpu.memory_space<vmem>>
      %dma_start3A_91 = arith.constant 0 : i32
      %dma_start3A_92 = arith.constant 0 : i32
      %dma_start3A_93 = tpu.memref_slice %arg2[%arg0, %dma_start3A_91, %dma_start3A_92] : memref<2x10000x64xf32, #tpu.memory_space<hbm>> -> memref<1x10000x64xf32, #tpu.memory_space<hbm>>
      %dma_start3A_94 = tpu.memref_squeeze %dma_start3A_93 : memref<1x10000x64xf32, #tpu.memory_space<hbm>> -> memref<10000x64xf32, #tpu.memory_space<hbm>>
      %dma_start3A_95 = arith.constant 0 : i32
      %dma_start3A_96 = arith.constant 0 : i32
      %dma_start3A_97 = tpu.memref_slice %dma_start3A_94[%dma_start3A_95, %dma_start3A_96] : memref<10000x64xf32, #tpu.memory_space<hbm>> -> memref<10000x64xf32, #tpu.memory_space<hbm>>
      tpu.enqueue_indirect_dma source(%dma_start3A_97 : memref<10000x64xf32, #tpu.memory_space<hbm>>) target(%arg8 : memref<128x64xf32, #tpu.memory_space<vmem>>) offsets(%dma_start3A_90 : memref<128xi32, #tpu.memory_space<vmem>>) semaphore(%arg12 : memref<!tpu.dma_semaphore, #tpu.memory_space<semaphore_mem>>)
      %dma_wait3A_98 = arith.constant 1 : i32
      %dma_wait3A_99 = arith.constant 0 : i32
      %dma_wait3A_100 = tpu.memref_slice %arg6[%dma_wait3A_98, %dma_wait3A_99] : memref<2x128xi32, #tpu.memory_space<vmem>> -> memref<1x128xi32, #tpu.memory_space<vmem>>
      %dma_wait3A_101 = tpu.memref_squeeze %dma_wait3A_100 : memref<1x128xi32, #tpu.memory_space<vmem>> -> memref<128xi32, #tpu.memory_space<vmem>>
      %dma_wait3A_102 = arith.constant 0 : i32
      %dma_wait3A_103 = arith.constant 0 : i32
      %dma_wait3A_104 = tpu.memref_slice %arg2[%arg0, %dma_wait3A_102, %dma_wait3A_103] : memref<2x10000x64xf32, #tpu.memory_space<hbm>> -> memref<1x10000x64xf32, #tpu.memory_space<hbm>>
      %dma_wait3A_105 = tpu.memref_squeeze %dma_wait3A_104 : memref<1x10000x64xf32, #tpu.memory_space<hbm>> -> memref<10000x64xf32, #tpu.memory_space<hbm>>
      %dma_wait3A_106 = arith.constant 0 : i32
      %dma_wait3A_107 = arith.constant 0 : i32
      %dma_wait3A_108 = tpu.memref_slice %dma_wait3A_105[%dma_wait3A_106, %dma_wait3A_107] : memref<10000x64xf32, #tpu.memory_space<hbm>> -> memref<10000x64xf32, #tpu.memory_space<hbm>>
      tpu.wait_indirect_dma semaphore(%arg13 : memref<!tpu.dma_semaphore, #tpu.memory_space<semaphore_mem>>) src(%dma_wait3A_108 : memref<10000x64xf32, #tpu.memory_space<hbm>>) dst(%arg9 : memref<128x64xf32, #tpu.memory_space<vmem>>)
      %run_scoped3A_109 = arith.constant 1 : i32
      "tpu.region"() ({
        %run_scoped3A_110 = tpu.sem_alloc : memref<!tpu.dma_semaphore, #tpu.memory_space<semaphore_mem>>
        %dma_start3A_111 = arith.constant 0 : i32
        %dma_start3A_112 = tpu.memref_slice %arg7[%run_scoped3A_109, %dma_start3A_111] : memref<2x128xi32, #tpu.memory_space<vmem>> -> memref<1x128xi32, #tpu.memory_space<vmem>>
        %dma_start3A_113 = tpu.memref_squeeze %dma_start3A_112 : memref<1x128xi32, #tpu.memory_space<vmem>> -> memref<128xi32, #tpu.memory_space<vmem>>
        %dma_start3A_114 = arith.constant 0 : i32
        %dma_start3A_115 = arith.constant 0 : i32
        %dma_start3A_116 = tpu.memref_slice %arg11[%dma_start3A_114, %dma_start3A_115] : memref<10240x64xf32, #tpu.memory_space<vmem_shared>> -> memref<10240x64xf32, #tpu.memory_space<vmem_shared>>
        tpu.enqueue_indirect_dma source(%arg9 : memref<128x64xf32, #tpu.memory_space<vmem>>) target(%dma_start3A_116 : memref<10240x64xf32, #tpu.memory_space<vmem_shared>>) offsets(%dma_start3A_113 : memref<128xi32, #tpu.memory_space<vmem>>) semaphore(%run_scoped3A_110 : memref<!tpu.dma_semaphore, #tpu.memory_space<semaphore_mem>>) {add = true}
        %dma_wait3A_117 = arith.constant 0 : i32
        %dma_wait3A_118 = tpu.memref_slice %arg7[%run_scoped3A_109, %dma_wait3A_117] : memref<2x128xi32, #tpu.memory_space<vmem>> -> memref<1x128xi32, #tpu.memory_space<vmem>>
        %dma_wait3A_119 = tpu.memref_squeeze %dma_wait3A_118 : memref<1x128xi32, #tpu.memory_space<vmem>> -> memref<128xi32, #tpu.memory_space<vmem>>
        %dma_wait3A_120 = arith.constant 0 : i32
        %dma_wait3A_121 = arith.constant 0 : i32
        %dma_wait3A_122 = tpu.memref_slice %arg11[%dma_wait3A_120, %dma_wait3A_121] : memref<10240x64xf32, #tpu.memory_space<vmem_shared>> -> memref<10240x64xf32, #tpu.memory_space<vmem_shared>>
        tpu.wait_indirect_dma semaphore(%run_scoped3A_110 : memref<!tpu.dma_semaphore, #tpu.memory_space<semaphore_mem>>) src(%arg9 : memref<128x64xf32, #tpu.memory_space<vmem>>) dst(%dma_wait3A_122 : memref<10240x64xf32, #tpu.memory_space<vmem_shared>>)
        tpu.yield
      }) : () -> ()
    }
    %scan3A_29 = arith.constant 79 : i32
    %dma_wait3A = arith.constant 0 : i32
    %dma_wait3A_30 = arith.constant 0 : i32
    %dma_wait3A_31 = tpu.memref_slice %arg6[%dma_wait3A, %dma_wait3A_30] : memref<2x128xi32, #tpu.memory_space<vmem>> -> memref<1x128xi32, #tpu.memory_space<vmem>>
    %dma_wait3A_32 = tpu.memref_squeeze %dma_wait3A_31 : memref<1x128xi32, #tpu.memory_space<vmem>> -> memref<128xi32, #tpu.memory_space<vmem>>
    %dma_wait3A_33 = arith.constant 0 : i32
    %dma_wait3A_34 = arith.constant 0 : i32
    %dma_wait3A_35 = tpu.memref_slice %arg2[%arg0, %dma_wait3A_33, %dma_wait3A_34] : memref<2x10000x64xf32, #tpu.memory_space<hbm>> -> memref<1x10000x64xf32, #tpu.memory_space<hbm>>
    %dma_wait3A_36 = tpu.memref_squeeze %dma_wait3A_35 : memref<1x10000x64xf32, #tpu.memory_space<hbm>> -> memref<10000x64xf32, #tpu.memory_space<hbm>>
    %dma_wait3A_37 = arith.constant 0 : i32
    %dma_wait3A_38 = arith.constant 0 : i32
    %dma_wait3A_39 = tpu.memref_slice %dma_wait3A_36[%dma_wait3A_37, %dma_wait3A_38] : memref<10000x64xf32, #tpu.memory_space<hbm>> -> memref<10000x64xf32, #tpu.memory_space<hbm>>
    tpu.wait_indirect_dma semaphore(%arg12 : memref<!tpu.dma_semaphore, #tpu.memory_space<semaphore_mem>>) src(%dma_wait3A_39 : memref<10000x64xf32, #tpu.memory_space<hbm>>) dst(%arg8 : memref<128x64xf32, #tpu.memory_space<vmem>>)
    %barrier3A_40 = arith.constant 0 : index
    tpu.barrier barrier_id(%barrier3A_40)
    %lt3A = arith.constant 15 : i32
    %lt3A_41 = arith.cmpi slt, %arg1, %lt3A : i32
    %convert_element_type3A = arith.extui %lt3A_41 : i1 to i32
    %cond3A = arith.constant 0 : i32
    %cond3A_42 = arith.cmpi ne, %convert_element_type3A, %cond3A : i32
    scf.if %cond3A_42 {
      "tpu.region"() ({
        %run_scoped3A = tpu.sem_alloc : memref<!tpu.dma_semaphore, #tpu.memory_space<semaphore_mem>>
        %dma_start3A_47 = arith.constant 0 : i32
        %dma_start3A_48 = tpu.memref_slice %arg4[%arg0, %mul3A_0, %dma_start3A_47] : memref<2x10000x64xf32, #tpu.memory_space<hbm>> -> memref<1x640x64xf32, #tpu.memory_space<hbm>>
        %dma_start3A_49 = tpu.memref_squeeze %dma_start3A_48 : memref<1x640x64xf32, #tpu.memory_space<hbm>> -> memref<640x64xf32, #tpu.memory_space<hbm>>
        %dma_start3A_50 = arith.constant 0 : i32
        %dma_start3A_51 = tpu.memref_slice %arg11[%mul3A_0, %dma_start3A_50] : memref<10240x64xf32, #tpu.memory_space<vmem_shared>> -> memref<640x64xf32, #tpu.memory_space<vmem_shared>>
        tpu.enqueue_dma source(%dma_start3A_51 : memref<640x64xf32, #tpu.memory_space<vmem_shared>>) target(%dma_start3A_49 : memref<640x64xf32, #tpu.memory_space<hbm>>) target_semaphore(%run_scoped3A : memref<!tpu.dma_semaphore, #tpu.memory_space<semaphore_mem>>)
        %dma_wait3A_52 = arith.constant 0 : i32
        %dma_wait3A_53 = tpu.memref_slice %arg4[%arg0, %mul3A_0, %dma_wait3A_52] : memref<2x10000x64xf32, #tpu.memory_space<hbm>> -> memref<1x640x64xf32, #tpu.memory_space<hbm>>
        %dma_wait3A_54 = tpu.memref_squeeze %dma_wait3A_53 : memref<1x640x64xf32, #tpu.memory_space<hbm>> -> memref<640x64xf32, #tpu.memory_space<hbm>>
        %dma_wait3A_55 = arith.constant 0 : i32
        %dma_wait3A_56 = tpu.memref_slice %arg11[%mul3A_0, %dma_wait3A_55] : memref<10240x64xf32, #tpu.memory_space<vmem_shared>> -> memref<640x64xf32, #tpu.memory_space<vmem_shared>>
        tpu.wait_dma2 semaphore(%run_scoped3A : memref<!tpu.dma_semaphore, #tpu.memory_space<semaphore_mem>>) src(%dma_wait3A_56 : memref<640x64xf32, #tpu.memory_space<vmem_shared>>) dst(%dma_wait3A_54 : memref<640x64xf32, #tpu.memory_space<hbm>>)
        tpu.yield
      }) : () -> ()
    } else {
    }
    %eq3A = arith.constant 15 : i32
    %eq3A_43 = arith.cmpi eq, %arg1, %eq3A : i32
    %convert_element_type3A_44 = arith.extui %eq3A_43 : i1 to i32
    %cond3A_45 = arith.constant 0 : i32
    %cond3A_46 = arith.cmpi ne, %convert_element_type3A_44, %cond3A_45 : i32
    scf.if %cond3A_46 {
      "tpu.region"() ({
        %run_scoped3A = tpu.sem_alloc : memref<!tpu.dma_semaphore, #tpu.memory_space<semaphore_mem>>
        %dma_start3A_47 = arith.constant 0 : i32
        %dma_start3A_48 = tpu.memref_slice %arg4[%arg0, %mul3A_0, %dma_start3A_47] : memref<2x10000x64xf32, #tpu.memory_space<hbm>> -> memref<1x400x64xf32, #tpu.memory_space<hbm>>
        %dma_start3A_49 = tpu.memref_squeeze %dma_start3A_48 : memref<1x400x64xf32, #tpu.memory_space<hbm>> -> memref<400x64xf32, #tpu.memory_space<hbm>>
        %dma_start3A_50 = arith.constant 0 : i32
        %dma_start3A_51 = tpu.memref_slice %arg11[%mul3A_0, %dma_start3A_50] : memref<10240x64xf32, #tpu.memory_space<vmem_shared>> -> memref<400x64xf32, #tpu.memory_space<vmem_shared>>
        tpu.enqueue_dma source(%dma_start3A_51 : memref<400x64xf32, #tpu.memory_space<vmem_shared>>) target(%dma_start3A_49 : memref<400x64xf32, #tpu.memory_space<hbm>>) target_semaphore(%run_scoped3A : memref<!tpu.dma_semaphore, #tpu.memory_space<semaphore_mem>>)
        %dma_wait3A_52 = arith.constant 0 : i32
        %dma_wait3A_53 = tpu.memref_slice %arg4[%arg0, %mul3A_0, %dma_wait3A_52] : memref<2x10000x64xf32, #tpu.memory_space<hbm>> -> memref<1x400x64xf32, #tpu.memory_space<hbm>>
        %dma_wait3A_54 = tpu.memref_squeeze %dma_wait3A_53 : memref<1x400x64xf32, #tpu.memory_space<hbm>> -> memref<400x64xf32, #tpu.memory_space<hbm>>
        %dma_wait3A_55 = arith.constant 0 : i32
        %dma_wait3A_56 = tpu.memref_slice %arg11[%mul3A_0, %dma_wait3A_55] : memref<10240x64xf32, #tpu.memory_space<vmem_shared>> -> memref<400x64xf32, #tpu.memory_space<vmem_shared>>
        tpu.wait_dma2 semaphore(%run_scoped3A : memref<!tpu.dma_semaphore, #tpu.memory_space<semaphore_mem>>) src(%dma_wait3A_56 : memref<400x64xf32, #tpu.memory_space<vmem_shared>>) dst(%dma_wait3A_54 : memref<400x64xf32, #tpu.memory_space<hbm>>)
        tpu.yield
      }) : () -> ()
    } else {
    }
    return
  }
}

#map = affine_map<(d0, d1) -> (0, 0, 0)>
module attributes {stable_mosaic.version = 14 : i64} {
  func.func @_sc_count(%arg0: i32, %arg1: i32, %arg2: memref<16x160x128xi32, #tpu.memory_space<hbm>>, %arg3: memref<2x10000x16xf32, #tpu.memory_space<hbm>>, %arg4: memref<160x128xi32, #tpu.memory_space<vmem>>, %arg5: memref<1x128xi32, #tpu.memory_space<vmem>>, %arg6: memref<128x16xf32, #tpu.memory_space<vmem>>, %arg7: memref<128x16xf32, #tpu.memory_space<vmem>>, %arg8: memref<10240x16xf32, #tpu.memory_space<vmem_shared>>) attributes {dimension_semantics = [#tpu.dimension_semantics<core_parallel>, #tpu.dimension_semantics<subcore_parallel>], iteration_bounds = array<i64: 2, 16>, scalar_prefetch = 0 : i64, scratch_operands = 5 : i64, tpu.core_type = #tpu.core_type<sc_vector_subcore>, window_params = [{transform_indices = #map}, {transform_indices = #map}]} {
    %mul3A = arith.constant 640 : i32
    %mul3A_0 = arith.muli %arg1, %mul3A : i32
    %scan3A = arith.constant 0 : i32
    %scan3A_1 = arith.constant 128 : i32
    %scan3A_2 = arith.addi %scan3A, %scan3A_1 : i32
    %scan3A_3 = arith.constant 1 : i32
    scf.for %scan3A_27 = %scan3A to %scan3A_2 step %scan3A_3  : i32 {
      %mul3A_28 = arith.constant 1 : i32
      %mul3A_29 = arith.muli %scan3A_27, %mul3A_28 : i32
      %add3A = arith.constant 0 : i32
      %add3A_30 = arith.addi %add3A, %mul3A_29 : i32
      %broadcast_in_dim3A = arith.constant 0.000000e+00 : f32
      %broadcast_in_dim3A_31 = vector.broadcast %broadcast_in_dim3A : f32 to vector<16xf32>
      %swap3A = arith.index_cast %add3A_30 : i32 to index
      %swap3A_32 = arith.constant 0 : index
      %swap3A_33 = tpu.vector_load %arg7[%swap3A, %swap3A_32] {strides = array<i32>} : memref<128x16xf32, #tpu.memory_space<vmem>>, vector<1x16xf32>,
      %swap3A_34 = vector.shape_cast %swap3A_33 : vector<1x16xf32> to vector<16xf32>
      %swap3A_35 = vector.shape_cast %broadcast_in_dim3A_31 : vector<16xf32> to vector<1x16xf32>
      tpu.vector_store %arg7[%swap3A, %swap3A_32], %swap3A_35 {strides = array<i32>} : memref<128x16xf32, #tpu.memory_space<vmem>>, vector<1x16xf32>,
    }
    %scan3A_4 = arith.constant 128 : i32
    %scan3A_5 = arith.constant 0 : i32
    %scan3A_6 = arith.constant 128 : i32
    %scan3A_7 = arith.addi %scan3A_5, %scan3A_6 : i32
    %scan3A_8 = arith.constant 1 : i32
    scf.for %scan3A_27 = %scan3A_5 to %scan3A_7 step %scan3A_8  : i32 {
      %mul3A_28 = arith.constant 1 : i32
      %mul3A_29 = arith.muli %scan3A_27, %mul3A_28 : i32
      %add3A = arith.constant 0 : i32
      %add3A_30 = arith.addi %add3A, %mul3A_29 : i32
      %broadcast_in_dim3A = arith.constant 1.000000e+00 : f32
      %broadcast_in_dim3A_31 = vector.broadcast %broadcast_in_dim3A : f32 to vector<16xf32>
      %swap3A = arith.index_cast %add3A_30 : i32 to index
      %swap3A_32 = arith.constant 0 : index
      %swap3A_33 = tpu.vector_load %arg6[%swap3A, %swap3A_32] {strides = array<i32>} : memref<128x16xf32, #tpu.memory_space<vmem>>, vector<1x16xf32>,
      %swap3A_34 = vector.shape_cast %swap3A_33 : vector<1x16xf32> to vector<16xf32>
      %swap3A_35 = vector.shape_cast %broadcast_in_dim3A_31 : vector<16xf32> to vector<1x16xf32>
      tpu.vector_store %arg6[%swap3A, %swap3A_32], %swap3A_35 {strides = array<i32>} : memref<128x16xf32, #tpu.memory_space<vmem>>, vector<1x16xf32>,
    }
    %scan3A_9 = arith.constant 128 : i32
    %scan3A_10 = arith.constant 0 : i32
    %scan3A_11 = arith.constant 5 : i32
    %scan3A_12 = arith.addi %scan3A_10, %scan3A_11 : i32
    %scan3A_13 = arith.constant 1 : i32
    scf.for %scan3A_27 = %scan3A_10 to %scan3A_12 step %scan3A_13  : i32 {
      %mul3A_28 = arith.constant 128 : i32
      %mul3A_29 = arith.muli %scan3A_27, %mul3A_28 : i32
      %add3A = arith.constant 0 : i32
      %add3A_30 = arith.addi %add3A, %mul3A_29 : i32
      %add3A_31 = arith.addi %mul3A_0, %add3A_30 : i32
      "tpu.region"() ({
        %run_scoped3A = tpu.sem_alloc : memref<!tpu.dma_semaphore, #tpu.memory_space<semaphore_mem>>
        %dma_start3A = arith.constant 0 : i32
        %dma_start3A_32 = tpu.memref_slice %arg8[%add3A_31, %dma_start3A] : memref<10240x16xf32, #tpu.memory_space<vmem_shared>> -> memref<128x16xf32, #tpu.memory_space<vmem_shared>>
        %dma_start3A_33 = arith.constant 0 : i32
        %dma_start3A_34 = tpu.memref_slice %arg8[%add3A_31, %dma_start3A_33] : memref<10240x16xf32, #tpu.memory_space<vmem_shared>> -> memref<128x16xf32, #tpu.memory_space<vmem_shared>>
        tpu.enqueue_dma source(%arg7 : memref<128x16xf32, #tpu.memory_space<vmem>>) target(%dma_start3A_34 : memref<128x16xf32, #tpu.memory_space<vmem_shared>>) target_semaphore(%run_scoped3A : memref<!tpu.dma_semaphore, #tpu.memory_space<semaphore_mem>>)
        %dma_wait3A = arith.constant 0 : i32
        %dma_wait3A_35 = tpu.memref_slice %arg8[%add3A_31, %dma_wait3A] : memref<10240x16xf32, #tpu.memory_space<vmem_shared>> -> memref<128x16xf32, #tpu.memory_space<vmem_shared>>
        %dma_wait3A_36 = arith.constant 0 : i32
        %dma_wait3A_37 = tpu.memref_slice %arg8[%add3A_31, %dma_wait3A_36] : memref<10240x16xf32, #tpu.memory_space<vmem_shared>> -> memref<128x16xf32, #tpu.memory_space<vmem_shared>>
        tpu.wait_dma2 semaphore(%run_scoped3A : memref<!tpu.dma_semaphore, #tpu.memory_space<semaphore_mem>>) src(%arg7 : memref<128x16xf32, #tpu.memory_space<vmem>>) dst(%dma_wait3A_37 : memref<128x16xf32, #tpu.memory_space<vmem_shared>>)
        tpu.yield
      }) : () -> ()
    }
    %scan3A_14 = arith.constant 5 : i32
    "tpu.region"() ({
      %run_scoped3A = tpu.sem_alloc : memref<!tpu.dma_semaphore, #tpu.memory_space<semaphore_mem>>
      %dma_start3A = arith.constant 0 : i32
      %dma_start3A_27 = arith.constant 0 : i32
      %dma_start3A_28 = tpu.memref_slice %arg2[%arg1, %dma_start3A, %dma_start3A_27] : memref<16x160x128xi32, #tpu.memory_space<hbm>> -> memref<1x160x128xi32, #tpu.memory_space<hbm>>
      %dma_start3A_29 = tpu.memref_squeeze %dma_start3A_28 : memref<1x160x128xi32, #tpu.memory_space<hbm>> -> memref<160x128xi32, #tpu.memory_space<hbm>>
      %dma_start3A_30 = arith.constant 0 : i32
      %dma_start3A_31 = arith.constant 0 : i32
      %dma_start3A_32 = tpu.memref_slice %arg2[%arg1, %dma_start3A_30, %dma_start3A_31] : memref<16x160x128xi32, #tpu.memory_space<hbm>> -> memref<1x160x128xi32, #tpu.memory_space<hbm>>
      %dma_start3A_33 = tpu.memref_squeeze %dma_start3A_32 : memref<1x160x128xi32, #tpu.memory_space<hbm>> -> memref<160x128xi32, #tpu.memory_space<hbm>>
      tpu.enqueue_dma source(%dma_start3A_33 : memref<160x128xi32, #tpu.memory_space<hbm>>) target(%arg4 : memref<160x128xi32, #tpu.memory_space<vmem>>) target_semaphore(%run_scoped3A : memref<!tpu.dma_semaphore, #tpu.memory_space<semaphore_mem>>)
      %dma_wait3A = arith.constant 0 : i32
      %dma_wait3A_34 = arith.constant 0 : i32
      %dma_wait3A_35 = tpu.memref_slice %arg2[%arg1, %dma_wait3A, %dma_wait3A_34] : memref<16x160x128xi32, #tpu.memory_space<hbm>> -> memref<1x160x128xi32, #tpu.memory_space<hbm>>
      %dma_wait3A_36 = tpu.memref_squeeze %dma_wait3A_35 : memref<1x160x128xi32, #tpu.memory_space<hbm>> -> memref<160x128xi32, #tpu.memory_space<hbm>>
      %dma_wait3A_37 = arith.constant 0 : i32
      %dma_wait3A_38 = arith.constant 0 : i32
      %dma_wait3A_39 = tpu.memref_slice %arg2[%arg1, %dma_wait3A_37, %dma_wait3A_38] : memref<16x160x128xi32, #tpu.memory_space<hbm>> -> memref<1x160x128xi32, #tpu.memory_space<hbm>>
      %dma_wait3A_40 = tpu.memref_squeeze %dma_wait3A_39 : memref<1x160x128xi32, #tpu.memory_space<hbm>> -> memref<160x128xi32, #tpu.memory_space<hbm>>
      tpu.wait_dma2 semaphore(%run_scoped3A : memref<!tpu.dma_semaphore, #tpu.memory_space<semaphore_mem>>) src(%dma_wait3A_40 : memref<160x128xi32, #tpu.memory_space<hbm>>) dst(%arg4 : memref<160x128xi32, #tpu.memory_space<vmem>>)
      tpu.yield
    }) : () -> ()
    %barrier3A = arith.constant 0 : index
    tpu.barrier barrier_id(%barrier3A)
    %scan3A_15 = arith.constant 0 : i32
    %scan3A_16 = arith.constant 158 : i32
    %scan3A_17 = arith.addi %scan3A_15, %scan3A_16 : i32
    %scan3A_18 = arith.constant 1 : i32
    scf.for %scan3A_27 = %scan3A_15 to %scan3A_17 step %scan3A_18  : i32 {
      %mul3A_28 = arith.constant 1 : i32
      %mul3A_29 = arith.muli %scan3A_27, %mul3A_28 : i32
      %add3A = arith.constant 0 : i32
      %add3A_30 = arith.addi %add3A, %mul3A_29 : i32
      %scan3A_31 = arith.constant 0 : i32
      %scan3A_32 = arith.constant 8 : i32
      %scan3A_33 = arith.addi %scan3A_31, %scan3A_32 : i32
      %scan3A_34 = arith.constant 1 : i32
      scf.for %scan3A_36 = %scan3A_31 to %scan3A_33 step %scan3A_34  : i32 {
        %mul3A_37 = arith.constant 16 : i32
        %mul3A_38 = arith.muli %scan3A_36, %mul3A_37 : i32
        %add3A_39 = arith.constant 0 : i32
        %add3A_40 = arith.addi %add3A_39, %mul3A_38 : i32
        %get3A = arith.index_cast %add3A_30 : i32 to index
        %get3A_41 = arith.index_cast %add3A_40 : i32 to index
        %get3A_42 = tpu.vector_load %arg4[%get3A, %get3A_41] {strides = array<i32>} : memref<160x128xi32, #tpu.memory_space<vmem>>, vector<1x16xi32>,
        %get3A_43 = vector.shape_cast %get3A_42 : vector<1x16xi32> to vector<16xi32>
        %shift_right_logical3A = arith.constant 16 : i32
        %shift_right_logical3A_44 = vector.broadcast %shift_right_logical3A : i32 to vector<16xi32>
        %shift_right_logical3A_45 = arith.shrui %get3A_43, %shift_right_logical3A_44 : vector<16xi32>
        %swap3A = arith.constant 0 : i32
        %swap3A_46 = arith.index_cast %swap3A : i32 to index
        %swap3A_47 = arith.index_cast %add3A_40 : i32 to index
        %swap3A_48 = tpu.vector_load %arg5[%swap3A_46, %swap3A_47] {strides = array<i32>} : memref<1x128xi32, #tpu.memory_space<vmem>>, vector<1x16xi32>,
        %swap3A_49 = vector.shape_cast %swap3A_48 : vector<1x16xi32> to vector<16xi32>
        %swap3A_50 = vector.shape_cast %shift_right_logical3A_45 : vector<16xi32> to vector<1x16xi32>
        tpu.vector_store %arg5[%swap3A_46, %swap3A_47], %swap3A_50 {strides = array<i32>} : memref<1x128xi32, #tpu.memory_space<vmem>>, vector<1x16xi32>,
      }
      %scan3A_35 = arith.constant 8 : i32
      %run_scoped3A = arith.constant 0 : i32
      "tpu.region"() ({
        %run_scoped3A_36 = tpu.sem_alloc : memref<!tpu.dma_semaphore, #tpu.memory_space<semaphore_mem>>
        %dma_start3A = arith.constant 0 : i32
        %dma_start3A_37 = tpu.memref_slice %arg5[%run_scoped3A, %dma_start3A] : memref<1x128xi32, #tpu.memory_space<vmem>> -> memref<1x128xi32, #tpu.memory_space<vmem>>
        %dma_start3A_38 = tpu.memref_squeeze %dma_start3A_37 : memref<1x128xi32, #tpu.memory_space<vmem>> -> memref<128xi32, #tpu.memory_space<vmem>>
        %dma_start3A_39 = arith.constant 0 : i32
        %dma_start3A_40 = arith.constant 0 : i32
        %dma_start3A_41 = tpu.memref_slice %arg8[%dma_start3A_39, %dma_start3A_40] : memref<10240x16xf32, #tpu.memory_space<vmem_shared>> -> memref<10240x16xf32, #tpu.memory_space<vmem_shared>>
        tpu.enqueue_indirect_dma source(%arg6 : memref<128x16xf32, #tpu.memory_space<vmem>>) target(%dma_start3A_41 : memref<10240x16xf32, #tpu.memory_space<vmem_shared>>) offsets(%dma_start3A_38 : memref<128xi32, #tpu.memory_space<vmem>>) semaphore(%run_scoped3A_36 : memref<!tpu.dma_semaphore, #tpu.memory_space<semaphore_mem>>) {add = true}
        %dma_wait3A = arith.constant 0 : i32
        %dma_wait3A_42 = tpu.memref_slice %arg5[%run_scoped3A, %dma_wait3A] : memref<1x128xi32, #tpu.memory_space<vmem>> -> memref<1x128xi32, #tpu.memory_space<vmem>>
        %dma_wait3A_43 = tpu.memref_squeeze %dma_wait3A_42 : memref<1x128xi32, #tpu.memory_space<vmem>> -> memref<128xi32, #tpu.memory_space<vmem>>
        %dma_wait3A_44 = arith.constant 0 : i32
        %dma_wait3A_45 = arith.constant 0 : i32
        %dma_wait3A_46 = tpu.memref_slice %arg8[%dma_wait3A_44, %dma_wait3A_45] : memref<10240x16xf32, #tpu.memory_space<vmem_shared>> -> memref<10240x16xf32, #tpu.memory_space<vmem_shared>>
        tpu.wait_indirect_dma semaphore(%run_scoped3A_36 : memref<!tpu.dma_semaphore, #tpu.memory_space<semaphore_mem>>) src(%arg6 : memref<128x16xf32, #tpu.memory_space<vmem>>) dst(%dma_wait3A_46 : memref<10240x16xf32, #tpu.memory_space<vmem_shared>>)
        tpu.yield
      }) : () -> ()
    }
    %scan3A_19 = arith.constant 158 : i32
    %barrier3A_20 = arith.constant 0 : index
    tpu.barrier barrier_id(%barrier3A_20)
    %lt3A = arith.constant 15 : i32
    %lt3A_21 = arith.cmpi slt, %arg1, %lt3A : i32
    %convert_element_type3A = arith.extui %lt3A_21 : i1 to i32
    %cond3A = arith.constant 0 : i32
    %cond3A_22 = arith.cmpi ne, %convert_element_type3A, %cond3A : i32
    scf.if %cond3A_22 {
      "tpu.region"() ({
        %run_scoped3A = tpu.sem_alloc : memref<!tpu.dma_semaphore, #tpu.memory_space<semaphore_mem>>
        %dma_start3A = arith.constant 0 : i32
        %dma_start3A_27 = tpu.memref_slice %arg3[%arg0, %mul3A_0, %dma_start3A] : memref<2x10000x16xf32, #tpu.memory_space<hbm>> -> memref<1x640x16xf32, #tpu.memory_space<hbm>>
        %dma_start3A_28 = tpu.memref_squeeze %dma_start3A_27 : memref<1x640x16xf32, #tpu.memory_space<hbm>> -> memref<640x16xf32, #tpu.memory_space<hbm>>
        %dma_start3A_29 = arith.constant 0 : i32
        %dma_start3A_30 = tpu.memref_slice %arg8[%mul3A_0, %dma_start3A_29] : memref<10240x16xf32, #tpu.memory_space<vmem_shared>> -> memref<640x16xf32, #tpu.memory_space<vmem_shared>>
        tpu.enqueue_dma source(%dma_start3A_30 : memref<640x16xf32, #tpu.memory_space<vmem_shared>>) target(%dma_start3A_28 : memref<640x16xf32, #tpu.memory_space<hbm>>) target_semaphore(%run_scoped3A : memref<!tpu.dma_semaphore, #tpu.memory_space<semaphore_mem>>)
        %dma_wait3A = arith.constant 0 : i32
        %dma_wait3A_31 = tpu.memref_slice %arg3[%arg0, %mul3A_0, %dma_wait3A] : memref<2x10000x16xf32, #tpu.memory_space<hbm>> -> memref<1x640x16xf32, #tpu.memory_space<hbm>>
        %dma_wait3A_32 = tpu.memref_squeeze %dma_wait3A_31 : memref<1x640x16xf32, #tpu.memory_space<hbm>> -> memref<640x16xf32, #tpu.memory_space<hbm>>
        %dma_wait3A_33 = arith.constant 0 : i32
        %dma_wait3A_34 = tpu.memref_slice %arg8[%mul3A_0, %dma_wait3A_33] : memref<10240x16xf32, #tpu.memory_space<vmem_shared>> -> memref<640x16xf32, #tpu.memory_space<vmem_shared>>
        tpu.wait_dma2 semaphore(%run_scoped3A : memref<!tpu.dma_semaphore, #tpu.memory_space<semaphore_mem>>) src(%dma_wait3A_34 : memref<640x16xf32, #tpu.memory_space<vmem_shared>>) dst(%dma_wait3A_32 : memref<640x16xf32, #tpu.memory_space<hbm>>)
        tpu.yield
      }) : () -> ()
    } else {
    }
    %eq3A = arith.constant 15 : i32
    %eq3A_23 = arith.cmpi eq, %arg1, %eq3A : i32
    %convert_element_type3A_24 = arith.extui %eq3A_23 : i1 to i32
    %cond3A_25 = arith.constant 0 : i32
    %cond3A_26 = arith.cmpi ne, %convert_element_type3A_24, %cond3A_25 : i32
    scf.if %cond3A_26 {
      "tpu.region"() ({
        %run_scoped3A = tpu.sem_alloc : memref<!tpu.dma_semaphore, #tpu.memory_space<semaphore_mem>>
        %dma_start3A = arith.constant 0 : i32
        %dma_start3A_27 = tpu.memref_slice %arg3[%arg0, %mul3A_0, %dma_start3A] : memref<2x10000x16xf32, #tpu.memory_space<hbm>> -> memref<1x400x16xf32, #tpu.memory_space<hbm>>
        %dma_start3A_28 = tpu.memref_squeeze %dma_start3A_27 : memref<1x400x16xf32, #tpu.memory_space<hbm>> -> memref<400x16xf32, #tpu.memory_space<hbm>>
        %dma_start3A_29 = arith.constant 0 : i32
        %dma_start3A_30 = tpu.memref_slice %arg8[%mul3A_0, %dma_start3A_29] : memref<10240x16xf32, #tpu.memory_space<vmem_shared>> -> memref<400x16xf32, #tpu.memory_space<vmem_shared>>
        tpu.enqueue_dma source(%dma_start3A_30 : memref<400x16xf32, #tpu.memory_space<vmem_shared>>) target(%dma_start3A_28 : memref<400x16xf32, #tpu.memory_space<hbm>>) target_semaphore(%run_scoped3A : memref<!tpu.dma_semaphore, #tpu.memory_space<semaphore_mem>>)
        %dma_wait3A = arith.constant 0 : i32
        %dma_wait3A_31 = tpu.memref_slice %arg3[%arg0, %mul3A_0, %dma_wait3A] : memref<2x10000x16xf32, #tpu.memory_space<hbm>> -> memref<1x400x16xf32, #tpu.memory_space<hbm>>
        %dma_wait3A_32 = tpu.memref_squeeze %dma_wait3A_31 : memref<1x400x16xf32, #tpu.memory_space<hbm>> -> memref<400x16xf32, #tpu.memory_space<hbm>>
        %dma_wait3A_33 = arith.constant 0 : i32
        %dma_wait3A_34 = tpu.memref_slice %arg8[%mul3A_0, %dma_wait3A_33] : memref<10240x16xf32, #tpu.memory_space<vmem_shared>> -> memref<400x16xf32, #tpu.memory_space<vmem_shared>>
        tpu.wait_dma2 semaphore(%run_scoped3A : memref<!tpu.dma_semaphore, #tpu.memory_space<semaphore_mem>>) src(%dma_wait3A_34 : memref<400x16xf32, #tpu.memory_space<vmem_shared>>) dst(%dma_wait3A_32 : memref<400x16xf32, #tpu.memory_space<hbm>>)
        tpu.yield
      }) : () -> ()
    } else {
    }
    return
  }
}

#map = affine_map<(d0, d1) -> (0, 0, 0)>
module attributes {stable_mosaic.version = 14 : i64} {
  func.func @_sc_feat(%arg0: i32, %arg1: i32, %arg2: memref<2x10000x64xf32, #tpu.memory_space<hbm>>, %arg3: memref<16x160x128xi32, #tpu.memory_space<hbm>>, %arg4: memref<2x10000x64xf32, #tpu.memory_space<hbm>>, %arg5: memref<160x128xi32, #tpu.memory_space<vmem>>, %arg6: memref<2x128xi32, #tpu.memory_space<vmem>>, %arg7: memref<2x128xi32, #tpu.memory_space<vmem>>, %arg8: memref<128x64xf32, #tpu.memory_space<vmem>>, %arg9: memref<128x64xf32, #tpu.memory_space<vmem>>, %arg10: memref<128x64xf32, #tpu.memory_space<vmem>>, %arg11: memref<10240x64xf32, #tpu.memory_space<vmem_shared>>, %arg12: memref<!tpu.dma_semaphore, #tpu.memory_space<semaphore_mem>>, %arg13: memref<!tpu.dma_semaphore, #tpu.memory_space<semaphore_mem>>) attributes {dimension_semantics = [#tpu.dimension_semantics<core_parallel>, #tpu.dimension_semantics<subcore_parallel>], iteration_bounds = array<i64: 2, 16>, scalar_prefetch = 0 : i64, scratch_operands = 9 : i64, tpu.core_type = #tpu.core_type<sc_vector_subcore>, window_params = [{transform_indices = #map}, {transform_indices = #map}, {transform_indices = #map}]} {
    %mul3A = arith.constant 640 : i32
    %mul3A_0 = arith.muli %arg1, %mul3A : i32
    %scan3A = arith.constant 0 : i32
    %scan3A_1 = arith.constant 128 : i32
    %scan3A_2 = arith.addi %scan3A, %scan3A_1 : i32
    %scan3A_3 = arith.constant 1 : i32
    scf.for %scan3A_47 = %scan3A to %scan3A_2 step %scan3A_3  : i32 {
      %mul3A_48 = arith.constant 1 : i32
      %mul3A_49 = arith.muli %scan3A_47, %mul3A_48 : i32
      %add3A = arith.constant 0 : i32
      %add3A_50 = arith.addi %add3A, %mul3A_49 : i32
      %scan3A_51 = arith.constant 0 : i32
      %scan3A_52 = arith.constant 4 : i32
      %scan3A_53 = arith.addi %scan3A_51, %scan3A_52 : i32
      %scan3A_54 = arith.constant 1 : i32
      scf.for %scan3A_56 = %scan3A_51 to %scan3A_53 step %scan3A_54  : i32 {
        %mul3A_57 = arith.constant 16 : i32
        %mul3A_58 = arith.muli %scan3A_56, %mul3A_57 : i32
        %add3A_59 = arith.constant 0 : i32
        %add3A_60 = arith.addi %add3A_59, %mul3A_58 : i32
        %broadcast_in_dim3A = arith.constant 0.000000e+00 : f32
        %broadcast_in_dim3A_61 = vector.broadcast %broadcast_in_dim3A : f32 to vector<16xf32>
        %swap3A = arith.index_cast %add3A_50 : i32 to index
        %swap3A_62 = arith.index_cast %add3A_60 : i32 to index
        %swap3A_63 = tpu.vector_load %arg10[%swap3A, %swap3A_62] {strides = array<i32>} : memref<128x64xf32, #tpu.memory_space<vmem>>, vector<1x16xf32>,
        %swap3A_64 = vector.shape_cast %swap3A_63 : vector<1x16xf32> to vector<16xf32>
        %swap3A_65 = vector.shape_cast %broadcast_in_dim3A_61 : vector<16xf32> to vector<1x16xf32>
        tpu.vector_store %arg10[%swap3A, %swap3A_62], %swap3A_65 {strides = array<i32>} : memref<128x64xf32, #tpu.memory_space<vmem>>, vector<1x16xf32>,
      }
      %scan3A_55 = arith.constant 4 : i32
    }
    %scan3A_4 = arith.constant 128 : i32
    %scan3A_5 = arith.constant 0 : i32
    %scan3A_6 = arith.constant 5 : i32
    %scan3A_7 = arith.addi %scan3A_5, %scan3A_6 : i32
    %scan3A_8 = arith.constant 1 : i32
    scf.for %scan3A_47 = %scan3A_5 to %scan3A_7 step %scan3A_8  : i32 {
      %mul3A_48 = arith.constant 128 : i32
      %mul3A_49 = arith.muli %scan3A_47, %mul3A_48 : i32
      %add3A = arith.constant 0 : i32
      %add3A_50 = arith.addi %add3A, %mul3A_49 : i32
      %add3A_51 = arith.addi %mul3A_0, %add3A_50 : i32
      "tpu.region"() ({
        %run_scoped3A = tpu.sem_alloc : memref<!tpu.dma_semaphore, #tpu.memory_space<semaphore_mem>>
        %dma_start3A_52 = arith.constant 0 : i32
        %dma_start3A_53 = tpu.memref_slice %arg11[%add3A_51, %dma_start3A_52] : memref<10240x64xf32, #tpu.memory_space<vmem_shared>> -> memref<128x64xf32, #tpu.memory_space<vmem_shared>>
        %dma_start3A_54 = arith.constant 0 : i32
        %dma_start3A_55 = tpu.memref_slice %arg11[%add3A_51, %dma_start3A_54] : memref<10240x64xf32, #tpu.memory_space<vmem_shared>> -> memref<128x64xf32, #tpu.memory_space<vmem_shared>>
        tpu.enqueue_dma source(%arg10 : memref<128x64xf32, #tpu.memory_space<vmem>>) target(%dma_start3A_55 : memref<128x64xf32, #tpu.memory_space<vmem_shared>>) target_semaphore(%run_scoped3A : memref<!tpu.dma_semaphore, #tpu.memory_space<semaphore_mem>>)
        %dma_wait3A_56 = arith.constant 0 : i32
        %dma_wait3A_57 = tpu.memref_slice %arg11[%add3A_51, %dma_wait3A_56] : memref<10240x64xf32, #tpu.memory_space<vmem_shared>> -> memref<128x64xf32, #tpu.memory_space<vmem_shared>>
        %dma_wait3A_58 = arith.constant 0 : i32
        %dma_wait3A_59 = tpu.memref_slice %arg11[%add3A_51, %dma_wait3A_58] : memref<10240x64xf32, #tpu.memory_space<vmem_shared>> -> memref<128x64xf32, #tpu.memory_space<vmem_shared>>
        tpu.wait_dma2 semaphore(%run_scoped3A : memref<!tpu.dma_semaphore, #tpu.memory_space<semaphore_mem>>) src(%arg10 : memref<128x64xf32, #tpu.memory_space<vmem>>) dst(%dma_wait3A_59 : memref<128x64xf32, #tpu.memory_space<vmem_shared>>)
        tpu.yield
      }) : () -> ()
    }
    %scan3A_9 = arith.constant 5 : i32
    "tpu.region"() ({
      %run_scoped3A = tpu.sem_alloc : memref<!tpu.dma_semaphore, #tpu.memory_space<semaphore_mem>>
      %dma_start3A_47 = arith.constant 0 : i32
      %dma_start3A_48 = arith.constant 0 : i32
      %dma_start3A_49 = tpu.memref_slice %arg3[%arg1, %dma_start3A_47, %dma_start3A_48] : memref<16x160x128xi32, #tpu.memory_space<hbm>> -> memref<1x160x128xi32, #tpu.memory_space<hbm>>
      %dma_start3A_50 = tpu.memref_squeeze %dma_start3A_49 : memref<1x160x128xi32, #tpu.memory_space<hbm>> -> memref<160x128xi32, #tpu.memory_space<hbm>>
      %dma_start3A_51 = arith.constant 0 : i32
      %dma_start3A_52 = arith.constant 0 : i32
      %dma_start3A_53 = tpu.memref_slice %arg3[%arg1, %dma_start3A_51, %dma_start3A_52] : memref<16x160x128xi32, #tpu.memory_space<hbm>> -> memref<1x160x128xi32, #tpu.memory_space<hbm>>
      %dma_start3A_54 = tpu.memref_squeeze %dma_start3A_53 : memref<1x160x128xi32, #tpu.memory_space<hbm>> -> memref<160x128xi32, #tpu.memory_space<hbm>>
      tpu.enqueue_dma source(%dma_start3A_54 : memref<160x128xi32, #tpu.memory_space<hbm>>) target(%arg5 : memref<160x128xi32, #tpu.memory_space<vmem>>) target_semaphore(%run_scoped3A : memref<!tpu.dma_semaphore, #tpu.memory_space<semaphore_mem>>)
      %dma_wait3A_55 = arith.constant 0 : i32
      %dma_wait3A_56 = arith.constant 0 : i32
      %dma_wait3A_57 = tpu.memref_slice %arg3[%arg1, %dma_wait3A_55, %dma_wait3A_56] : memref<16x160x128xi32, #tpu.memory_space<hbm>> -> memref<1x160x128xi32, #tpu.memory_space<hbm>>
      %dma_wait3A_58 = tpu.memref_squeeze %dma_wait3A_57 : memref<1x160x128xi32, #tpu.memory_space<hbm>> -> memref<160x128xi32, #tpu.memory_space<hbm>>
      %dma_wait3A_59 = arith.constant 0 : i32
      %dma_wait3A_60 = arith.constant 0 : i32
      %dma_wait3A_61 = tpu.memref_slice %arg3[%arg1, %dma_wait3A_59, %dma_wait3A_60] : memref<16x160x128xi32, #tpu.memory_space<hbm>> -> memref<1x160x128xi32, #tpu.memory_space<hbm>>
      %dma_wait3A_62 = tpu.memref_squeeze %dma_wait3A_61 : memref<1x160x128xi32, #tpu.memory_space<hbm>> -> memref<160x128xi32, #tpu.memory_space<hbm>>
      tpu.wait_dma2 semaphore(%run_scoped3A : memref<!tpu.dma_semaphore, #tpu.memory_space<semaphore_mem>>) src(%dma_wait3A_62 : memref<160x128xi32, #tpu.memory_space<hbm>>) dst(%arg5 : memref<160x128xi32, #tpu.memory_space<vmem>>)
      tpu.yield
    }) : () -> ()
    %barrier3A = arith.constant 0 : index
    tpu.barrier barrier_id(%barrier3A)
    %scan3A_10 = arith.constant 0 : i32
    %scan3A_11 = arith.constant 8 : i32
    %scan3A_12 = arith.addi %scan3A_10, %scan3A_11 : i32
    %scan3A_13 = arith.constant 1 : i32
    scf.for %scan3A_47 = %scan3A_10 to %scan3A_12 step %scan3A_13  : i32 {
      %mul3A_48 = arith.constant 16 : i32
      %mul3A_49 = arith.muli %scan3A_47, %mul3A_48 : i32
      %add3A = arith.constant 0 : i32
      %add3A_50 = arith.addi %add3A, %mul3A_49 : i32
      %get3A = arith.constant 0 : i32
      %get3A_51 = arith.index_cast %get3A : i32 to index
      %get3A_52 = arith.index_cast %add3A_50 : i32 to index
      %get3A_53 = tpu.vector_load %arg5[%get3A_51, %get3A_52] {strides = array<i32>} : memref<160x128xi32, #tpu.memory_space<vmem>>, vector<1x16xi32>,
      %get3A_54 = vector.shape_cast %get3A_53 : vector<1x16xi32> to vector<16xi32>
      %and3A = arith.constant 65535 : i32
      %and3A_55 = vector.broadcast %and3A : i32 to vector<16xi32>
      %and3A_56 = arith.andi %get3A_54, %and3A_55 : vector<16xi32>
      %swap3A = arith.constant 0 : i32
      %swap3A_57 = arith.index_cast %swap3A : i32 to index
      %swap3A_58 = arith.index_cast %add3A_50 : i32 to index
      %swap3A_59 = tpu.vector_load %arg6[%swap3A_57, %swap3A_58] {strides = array<i32>} : memref<2x128xi32, #tpu.memory_space<vmem>>, vector<1x16xi32>,
      %swap3A_60 = vector.shape_cast %swap3A_59 : vector<1x16xi32> to vector<16xi32>
      %swap3A_61 = vector.shape_cast %and3A_56 : vector<16xi32> to vector<1x16xi32>
      tpu.vector_store %arg6[%swap3A_57, %swap3A_58], %swap3A_61 {strides = array<i32>} : memref<2x128xi32, #tpu.memory_space<vmem>>, vector<1x16xi32>,
      %shift_right_logical3A = arith.constant 16 : i32
      %shift_right_logical3A_62 = vector.broadcast %shift_right_logical3A : i32 to vector<16xi32>
      %shift_right_logical3A_63 = arith.shrui %get3A_54, %shift_right_logical3A_62 : vector<16xi32>
      %swap3A_64 = arith.constant 0 : i32
      %swap3A_65 = arith.index_cast %swap3A_64 : i32 to index
      %swap3A_66 = arith.index_cast %add3A_50 : i32 to index
      %swap3A_67 = tpu.vector_load %arg7[%swap3A_65, %swap3A_66] {strides = array<i32>} : memref<2x128xi32, #tpu.memory_space<vmem>>, vector<1x16xi32>,
      %swap3A_68 = vector.shape_cast %swap3A_67 : vector<1x16xi32> to vector<16xi32>
      %swap3A_69 = vector.shape_cast %shift_right_logical3A_63 : vector<16xi32> to vector<1x16xi32>
      tpu.vector_store %arg7[%swap3A_65, %swap3A_66], %swap3A_69 {strides = array<i32>} : memref<2x128xi32, #tpu.memory_space<vmem>>, vector<1x16xi32>,
    }
    %scan3A_14 = arith.constant 8 : i32
    %dma_start3A = arith.constant 0 : i32
    %dma_start3A_15 = arith.constant 0 : i32
    %dma_start3A_16 = tpu.memref_slice %arg6[%dma_start3A, %dma_start3A_15] : memref<2x128xi32, #tpu.memory_space<vmem>> -> memref<1x128xi32, #tpu.memory_space<vmem>>
    %dma_start3A_17 = tpu.memref_squeeze %dma_start3A_16 : memref<1x128xi32, #tpu.memory_space<vmem>> -> memref<128xi32, #tpu.memory_space<vmem>>
    %dma_start3A_18 = arith.constant 0 : i32
    %dma_start3A_19 = arith.constant 0 : i32
    %dma_start3A_20 = tpu.memref_slice %arg2[%arg0, %dma_start3A_18, %dma_start3A_19] : memref<2x10000x64xf32, #tpu.memory_space<hbm>> -> memref<1x10000x64xf32, #tpu.memory_space<hbm>>
    %dma_start3A_21 = tpu.memref_squeeze %dma_start3A_20 : memref<1x10000x64xf32, #tpu.memory_space<hbm>> -> memref<10000x64xf32, #tpu.memory_space<hbm>>
    %dma_start3A_22 = arith.constant 0 : i32
    %dma_start3A_23 = arith.constant 0 : i32
    %dma_start3A_24 = tpu.memref_slice %dma_start3A_21[%dma_start3A_22, %dma_start3A_23] : memref<10000x64xf32, #tpu.memory_space<hbm>> -> memref<10000x64xf32, #tpu.memory_space<hbm>>
    tpu.enqueue_indirect_dma source(%dma_start3A_24 : memref<10000x64xf32, #tpu.memory_space<hbm>>) target(%arg8 : memref<128x64xf32, #tpu.memory_space<vmem>>) offsets(%dma_start3A_17 : memref<128xi32, #tpu.memory_space<vmem>>) semaphore(%arg12 : memref<!tpu.dma_semaphore, #tpu.memory_space<semaphore_mem>>)
    %scan3A_25 = arith.constant 0 : i32
    %scan3A_26 = arith.constant 79 : i32
    %scan3A_27 = arith.addi %scan3A_25, %scan3A_26 : i32
    %scan3A_28 = arith.constant 1 : i32
    scf.for %scan3A_47 = %scan3A_25 to %scan3A_27 step %scan3A_28  : i32 {
      %mul3A_48 = arith.constant 2 : i32
      %mul3A_49 = arith.muli %scan3A_47, %mul3A_48 : i32
      %add3A = arith.constant 0 : i32
      %add3A_50 = arith.addi %add3A, %mul3A_49 : i32
      %add3A_51 = arith.constant 1 : i32
      %add3A_52 = arith.addi %add3A_50, %add3A_51 : i32
      %scan3A_53 = arith.constant 0 : i32
      %scan3A_54 = arith.constant 8 : i32
      %scan3A_55 = arith.addi %scan3A_53, %scan3A_54 : i32
      %scan3A_56 = arith.constant 1 : i32
      scf.for %scan3A_110 = %scan3A_53 to %scan3A_55 step %scan3A_56  : i32 {
        %mul3A_111 = arith.constant 16 : i32
        %mul3A_112 = arith.muli %scan3A_110, %mul3A_111 : i32
        %add3A_113 = arith.constant 0 : i32
        %add3A_114 = arith.addi %add3A_113, %mul3A_112 : i32
        %get3A = arith.index_cast %add3A_52 : i32 to index
        %get3A_115 = arith.index_cast %add3A_114 : i32 to index
        %get3A_116 = tpu.vector_load %arg5[%get3A, %get3A_115] {strides = array<i32>} : memref<160x128xi32, #tpu.memory_space<vmem>>, vector<1x16xi32>,
        %get3A_117 = vector.shape_cast %get3A_116 : vector<1x16xi32> to vector<16xi32>
        %and3A = arith.constant 65535 : i32
        %and3A_118 = vector.broadcast %and3A : i32 to vector<16xi32>
        %and3A_119 = arith.andi %get3A_117, %and3A_118 : vector<16xi32>
        %swap3A = arith.constant 1 : i32
        %swap3A_120 = arith.index_cast %swap3A : i32 to index
        %swap3A_121 = arith.index_cast %add3A_114 : i32 to index
        %swap3A_122 = tpu.vector_load %arg6[%swap3A_120, %swap3A_121] {strides = array<i32>} : memref<2x128xi32, #tpu.memory_space<vmem>>, vector<1x16xi32>,
        %swap3A_123 = vector.shape_cast %swap3A_122 : vector<1x16xi32> to vector<16xi32>
        %swap3A_124 = vector.shape_cast %and3A_119 : vector<16xi32> to vector<1x16xi32>
        tpu.vector_store %arg6[%swap3A_120, %swap3A_121], %swap3A_124 {strides = array<i32>} : memref<2x128xi32, #tpu.memory_space<vmem>>, vector<1x16xi32>,
        %shift_right_logical3A = arith.constant 16 : i32
        %shift_right_logical3A_125 = vector.broadcast %shift_right_logical3A : i32 to vector<16xi32>
        %shift_right_logical3A_126 = arith.shrui %get3A_117, %shift_right_logical3A_125 : vector<16xi32>
        %swap3A_127 = arith.constant 1 : i32
        %swap3A_128 = arith.index_cast %swap3A_127 : i32 to index
        %swap3A_129 = arith.index_cast %add3A_114 : i32 to index
        %swap3A_130 = tpu.vector_load %arg7[%swap3A_128, %swap3A_129] {strides = array<i32>} : memref<2x128xi32, #tpu.memory_space<vmem>>, vector<1x16xi32>,
        %swap3A_131 = vector.shape_cast %swap3A_130 : vector<1x16xi32> to vector<16xi32>
        %swap3A_132 = vector.shape_cast %shift_right_logical3A_126 : vector<16xi32> to vector<1x16xi32>
        tpu.vector_store %arg7[%swap3A_128, %swap3A_129], %swap3A_132 {strides = array<i32>} : memref<2x128xi32, #tpu.memory_space<vmem>>, vector<1x16xi32>,
      }
      %scan3A_57 = arith.constant 8 : i32
      %dma_start3A_58 = arith.constant 1 : i32
      %dma_start3A_59 = arith.constant 0 : i32
      %dma_start3A_60 = tpu.memref_slice %arg6[%dma_start3A_58, %dma_start3A_59] : memref<2x128xi32, #tpu.memory_space<vmem>> -> memref<1x128xi32, #tpu.memory_space<vmem>>
      %dma_start3A_61 = tpu.memref_squeeze %dma_start3A_60 : memref<1x128xi32, #tpu.memory_space<vmem>> -> memref<128xi32, #tpu.memory_space<vmem>>
      %dma_start3A_62 = arith.constant 0 : i32
      %dma_start3A_63 = arith.constant 0 : i32
      %dma_start3A_64 = tpu.memref_slice %arg2[%arg0, %dma_start3A_62, %dma_start3A_63] : memref<2x10000x64xf32, #tpu.memory_space<hbm>> -> memref<1x10000x64xf32, #tpu.memory_space<hbm>>
      %dma_start3A_65 = tpu.memref_squeeze %dma_start3A_64 : memref<1x10000x64xf32, #tpu.memory_space<hbm>> -> memref<10000x64xf32, #tpu.memory_space<hbm>>
      %dma_start3A_66 = arith.constant 0 : i32
      %dma_start3A_67 = arith.constant 0 : i32
      %dma_start3A_68 = tpu.memref_slice %dma_start3A_65[%dma_start3A_66, %dma_start3A_67] : memref<10000x64xf32, #tpu.memory_space<hbm>> -> memref<10000x64xf32, #tpu.memory_space<hbm>>
      tpu.enqueue_indirect_dma source(%dma_start3A_68 : memref<10000x64xf32, #tpu.memory_space<hbm>>) target(%arg9 : memref<128x64xf32, #tpu.memory_space<vmem>>) offsets(%dma_start3A_61 : memref<128xi32, #tpu.memory_space<vmem>>) semaphore(%arg13 : memref<!tpu.dma_semaphore, #tpu.memory_space<semaphore_mem>>)
      %dma_wait3A_69 = arith.constant 0 : i32
      %dma_wait3A_70 = arith.constant 0 : i32
      %dma_wait3A_71 = tpu.memref_slice %arg6[%dma_wait3A_69, %dma_wait3A_70] : memref<2x128xi32, #tpu.memory_space<vmem>> -> memref<1x128xi32, #tpu.memory_space<vmem>>
      %dma_wait3A_72 = tpu.memref_squeeze %dma_wait3A_71 : memref<1x128xi32, #tpu.memory_space<vmem>> -> memref<128xi32, #tpu.memory_space<vmem>>
      %dma_wait3A_73 = arith.constant 0 : i32
      %dma_wait3A_74 = arith.constant 0 : i32
      %dma_wait3A_75 = tpu.memref_slice %arg2[%arg0, %dma_wait3A_73, %dma_wait3A_74] : memref<2x10000x64xf32, #tpu.memory_space<hbm>> -> memref<1x10000x64xf32, #tpu.memory_space<hbm>>
      %dma_wait3A_76 = tpu.memref_squeeze %dma_wait3A_75 : memref<1x10000x64xf32, #tpu.memory_space<hbm>> -> memref<10000x64xf32, #tpu.memory_space<hbm>>
      %dma_wait3A_77 = arith.constant 0 : i32
      %dma_wait3A_78 = arith.constant 0 : i32
      %dma_wait3A_79 = tpu.memref_slice %dma_wait3A_76[%dma_wait3A_77, %dma_wait3A_78] : memref<10000x64xf32, #tpu.memory_space<hbm>> -> memref<10000x64xf32, #tpu.memory_space<hbm>>
      tpu.wait_indirect_dma semaphore(%arg12 : memref<!tpu.dma_semaphore, #tpu.memory_space<semaphore_mem>>) src(%dma_wait3A_79 : memref<10000x64xf32, #tpu.memory_space<hbm>>) dst(%arg8 : memref<128x64xf32, #tpu.memory_space<vmem>>)
      %run_scoped3A = arith.constant 0 : i32
      "tpu.region"() ({
        %run_scoped3A_110 = tpu.sem_alloc : memref<!tpu.dma_semaphore, #tpu.memory_space<semaphore_mem>>
        %dma_start3A_111 = arith.constant 0 : i32
        %dma_start3A_112 = tpu.memref_slice %arg7[%run_scoped3A, %dma_start3A_111] : memref<2x128xi32, #tpu.memory_space<vmem>> -> memref<1x128xi32, #tpu.memory_space<vmem>>
        %dma_start3A_113 = tpu.memref_squeeze %dma_start3A_112 : memref<1x128xi32, #tpu.memory_space<vmem>> -> memref<128xi32, #tpu.memory_space<vmem>>
        %dma_start3A_114 = arith.constant 0 : i32
        %dma_start3A_115 = arith.constant 0 : i32
        %dma_start3A_116 = tpu.memref_slice %arg11[%dma_start3A_114, %dma_start3A_115] : memref<10240x64xf32, #tpu.memory_space<vmem_shared>> -> memref<10240x64xf32, #tpu.memory_space<vmem_shared>>
        tpu.enqueue_indirect_dma source(%arg8 : memref<128x64xf32, #tpu.memory_space<vmem>>) target(%dma_start3A_116 : memref<10240x64xf32, #tpu.memory_space<vmem_shared>>) offsets(%dma_start3A_113 : memref<128xi32, #tpu.memory_space<vmem>>) semaphore(%run_scoped3A_110 : memref<!tpu.dma_semaphore, #tpu.memory_space<semaphore_mem>>) {add = true}
        %dma_wait3A_117 = arith.constant 0 : i32
        %dma_wait3A_118 = tpu.memref_slice %arg7[%run_scoped3A, %dma_wait3A_117] : memref<2x128xi32, #tpu.memory_space<vmem>> -> memref<1x128xi32, #tpu.memory_space<vmem>>
        %dma_wait3A_119 = tpu.memref_squeeze %dma_wait3A_118 : memref<1x128xi32, #tpu.memory_space<vmem>> -> memref<128xi32, #tpu.memory_space<vmem>>
        %dma_wait3A_120 = arith.constant 0 : i32
        %dma_wait3A_121 = arith.constant 0 : i32
        %dma_wait3A_122 = tpu.memref_slice %arg11[%dma_wait3A_120, %dma_wait3A_121] : memref<10240x64xf32, #tpu.memory_space<vmem_shared>> -> memref<10240x64xf32, #tpu.memory_space<vmem_shared>>
        tpu.wait_indirect_dma semaphore(%run_scoped3A_110 : memref<!tpu.dma_semaphore, #tpu.memory_space<semaphore_mem>>) src(%arg8 : memref<128x64xf32, #tpu.memory_space<vmem>>) dst(%dma_wait3A_122 : memref<10240x64xf32, #tpu.memory_space<vmem_shared>>)
        tpu.yield
      }) : () -> ()
      %add3A_80 = arith.constant 2 : i32
      %add3A_81 = arith.addi %add3A_50, %add3A_80 : i32
      %scan3A_82 = arith.constant 0 : i32
      %scan3A_83 = arith.constant 8 : i32
      %scan3A_84 = arith.addi %scan3A_82, %scan3A_83 : i32
      %scan3A_85 = arith.constant 1 : i32
      scf.for %scan3A_110 = %scan3A_82 to %scan3A_84 step %scan3A_85  : i32 {
        %mul3A_111 = arith.constant 16 : i32
        %mul3A_112 = arith.muli %scan3A_110, %mul3A_111 : i32
        %add3A_113 = arith.constant 0 : i32
        %add3A_114 = arith.addi %add3A_113, %mul3A_112 : i32
        %get3A = arith.index_cast %add3A_81 : i32 to index
        %get3A_115 = arith.index_cast %add3A_114 : i32 to index
        %get3A_116 = tpu.vector_load %arg5[%get3A, %get3A_115] {strides = array<i32>} : memref<160x128xi32, #tpu.memory_space<vmem>>, vector<1x16xi32>,
        %get3A_117 = vector.shape_cast %get3A_116 : vector<1x16xi32> to vector<16xi32>
        %and3A = arith.constant 65535 : i32
        %and3A_118 = vector.broadcast %and3A : i32 to vector<16xi32>
        %and3A_119 = arith.andi %get3A_117, %and3A_118 : vector<16xi32>
        %swap3A = arith.constant 0 : i32
        %swap3A_120 = arith.index_cast %swap3A : i32 to index
        %swap3A_121 = arith.index_cast %add3A_114 : i32 to index
        %swap3A_122 = tpu.vector_load %arg6[%swap3A_120, %swap3A_121] {strides = array<i32>} : memref<2x128xi32, #tpu.memory_space<vmem>>, vector<1x16xi32>,
        %swap3A_123 = vector.shape_cast %swap3A_122 : vector<1x16xi32> to vector<16xi32>
        %swap3A_124 = vector.shape_cast %and3A_119 : vector<16xi32> to vector<1x16xi32>
        tpu.vector_store %arg6[%swap3A_120, %swap3A_121], %swap3A_124 {strides = array<i32>} : memref<2x128xi32, #tpu.memory_space<vmem>>, vector<1x16xi32>,
        %shift_right_logical3A = arith.constant 16 : i32
        %shift_right_logical3A_125 = vector.broadcast %shift_right_logical3A : i32 to vector<16xi32>
        %shift_right_logical3A_126 = arith.shrui %get3A_117, %shift_right_logical3A_125 : vector<16xi32>
        %swap3A_127 = arith.constant 0 : i32
        %swap3A_128 = arith.index_cast %swap3A_127 : i32 to index
        %swap3A_129 = arith.index_cast %add3A_114 : i32 to index
        %swap3A_130 = tpu.vector_load %arg7[%swap3A_128, %swap3A_129] {strides = array<i32>} : memref<2x128xi32, #tpu.memory_space<vmem>>, vector<1x16xi32>,
        %swap3A_131 = vector.shape_cast %swap3A_130 : vector<1x16xi32> to vector<16xi32>
        %swap3A_132 = vector.shape_cast %shift_right_logical3A_126 : vector<16xi32> to vector<1x16xi32>
        tpu.vector_store %arg7[%swap3A_128, %swap3A_129], %swap3A_132 {strides = array<i32>} : memref<2x128xi32, #tpu.memory_space<vmem>>, vector<1x16xi32>,
      }
      %scan3A_86 = arith.constant 8 : i32
      %dma_start3A_87 = arith.constant 0 : i32
      %dma_start3A_88 = arith.constant 0 : i32
      %dma_start3A_89 = tpu.memref_slice %arg6[%dma_start3A_87, %dma_start3A_88] : memref<2x128xi32, #tpu.memory_space<vmem>> -> memref<1x128xi32, #tpu.memory_space<vmem>>
      %dma_start3A_90 = tpu.memref_squeeze %dma_start3A_89 : memref<1x128xi32, #tpu.memory_space<vmem>> -> memref<128xi32, #tpu.memory_space<vmem>>
      %dma_start3A_91 = arith.constant 0 : i32
      %dma_start3A_92 = arith.constant 0 : i32
      %dma_start3A_93 = tpu.memref_slice %arg2[%arg0, %dma_start3A_91, %dma_start3A_92] : memref<2x10000x64xf32, #tpu.memory_space<hbm>> -> memref<1x10000x64xf32, #tpu.memory_space<hbm>>
      %dma_start3A_94 = tpu.memref_squeeze %dma_start3A_93 : memref<1x10000x64xf32, #tpu.memory_space<hbm>> -> memref<10000x64xf32, #tpu.memory_space<hbm>>
      %dma_start3A_95 = arith.constant 0 : i32
      %dma_start3A_96 = arith.constant 0 : i32
      %dma_start3A_97 = tpu.memref_slice %dma_start3A_94[%dma_start3A_95, %dma_start3A_96] : memref<10000x64xf32, #tpu.memory_space<hbm>> -> memref<10000x64xf32, #tpu.memory_space<hbm>>
      tpu.enqueue_indirect_dma source(%dma_start3A_97 : memref<10000x64xf32, #tpu.memory_space<hbm>>) target(%arg8 : memref<128x64xf32, #tpu.memory_space<vmem>>) offsets(%dma_start3A_90 : memref<128xi32, #tpu.memory_space<vmem>>) semaphore(%arg12 : memref<!tpu.dma_semaphore, #tpu.memory_space<semaphore_mem>>)
      %dma_wait3A_98 = arith.constant 1 : i32
      %dma_wait3A_99 = arith.constant 0 : i32
      %dma_wait3A_100 = tpu.memref_slice %arg6[%dma_wait3A_98, %dma_wait3A_99] : memref<2x128xi32, #tpu.memory_space<vmem>> -> memref<1x128xi32, #tpu.memory_space<vmem>>
      %dma_wait3A_101 = tpu.memref_squeeze %dma_wait3A_100 : memref<1x128xi32, #tpu.memory_space<vmem>> -> memref<128xi32, #tpu.memory_space<vmem>>
      %dma_wait3A_102 = arith.constant 0 : i32
      %dma_wait3A_103 = arith.constant 0 : i32
      %dma_wait3A_104 = tpu.memref_slice %arg2[%arg0, %dma_wait3A_102, %dma_wait3A_103] : memref<2x10000x64xf32, #tpu.memory_space<hbm>> -> memref<1x10000x64xf32, #tpu.memory_space<hbm>>
      %dma_wait3A_105 = tpu.memref_squeeze %dma_wait3A_104 : memref<1x10000x64xf32, #tpu.memory_space<hbm>> -> memref<10000x64xf32, #tpu.memory_space<hbm>>
      %dma_wait3A_106 = arith.constant 0 : i32
      %dma_wait3A_107 = arith.constant 0 : i32
      %dma_wait3A_108 = tpu.memref_slice %dma_wait3A_105[%dma_wait3A_106, %dma_wait3A_107] : memref<10000x64xf32, #tpu.memory_space<hbm>> -> memref<10000x64xf32, #tpu.memory_space<hbm>>
      tpu.wait_indirect_dma semaphore(%arg13 : memref<!tpu.dma_semaphore, #tpu.memory_space<semaphore_mem>>) src(%dma_wait3A_108 : memref<10000x64xf32, #tpu.memory_space<hbm>>) dst(%arg9 : memref<128x64xf32, #tpu.memory_space<vmem>>)
      %run_scoped3A_109 = arith.constant 1 : i32
      "tpu.region"() ({
        %run_scoped3A_110 = tpu.sem_alloc : memref<!tpu.dma_semaphore, #tpu.memory_space<semaphore_mem>>
        %dma_start3A_111 = arith.constant 0 : i32
        %dma_start3A_112 = tpu.memref_slice %arg7[%run_scoped3A_109, %dma_start3A_111] : memref<2x128xi32, #tpu.memory_space<vmem>> -> memref<1x128xi32, #tpu.memory_space<vmem>>
        %dma_start3A_113 = tpu.memref_squeeze %dma_start3A_112 : memref<1x128xi32, #tpu.memory_space<vmem>> -> memref<128xi32, #tpu.memory_space<vmem>>
        %dma_start3A_114 = arith.constant 0 : i32
        %dma_start3A_115 = arith.constant 0 : i32
        %dma_start3A_116 = tpu.memref_slice %arg11[%dma_start3A_114, %dma_start3A_115] : memref<10240x64xf32, #tpu.memory_space<vmem_shared>> -> memref<10240x64xf32, #tpu.memory_space<vmem_shared>>
        tpu.enqueue_indirect_dma source(%arg9 : memref<128x64xf32, #tpu.memory_space<vmem>>) target(%dma_start3A_116 : memref<10240x64xf32, #tpu.memory_space<vmem_shared>>) offsets(%dma_start3A_113 : memref<128xi32, #tpu.memory_space<vmem>>) semaphore(%run_scoped3A_110 : memref<!tpu.dma_semaphore, #tpu.memory_space<semaphore_mem>>) {add = true}
        %dma_wait3A_117 = arith.constant 0 : i32
        %dma_wait3A_118 = tpu.memref_slice %arg7[%run_scoped3A_109, %dma_wait3A_117] : memref<2x128xi32, #tpu.memory_space<vmem>> -> memref<1x128xi32, #tpu.memory_space<vmem>>
        %dma_wait3A_119 = tpu.memref_squeeze %dma_wait3A_118 : memref<1x128xi32, #tpu.memory_space<vmem>> -> memref<128xi32, #tpu.memory_space<vmem>>
        %dma_wait3A_120 = arith.constant 0 : i32
        %dma_wait3A_121 = arith.constant 0 : i32
        %dma_wait3A_122 = tpu.memref_slice %arg11[%dma_wait3A_120, %dma_wait3A_121] : memref<10240x64xf32, #tpu.memory_space<vmem_shared>> -> memref<10240x64xf32, #tpu.memory_space<vmem_shared>>
        tpu.wait_indirect_dma semaphore(%run_scoped3A_110 : memref<!tpu.dma_semaphore, #tpu.memory_space<semaphore_mem>>) src(%arg9 : memref<128x64xf32, #tpu.memory_space<vmem>>) dst(%dma_wait3A_122 : memref<10240x64xf32, #tpu.memory_space<vmem_shared>>)
        tpu.yield
      }) : () -> ()
    }
    %scan3A_29 = arith.constant 79 : i32
    %dma_wait3A = arith.constant 0 : i32
    %dma_wait3A_30 = arith.constant 0 : i32
    %dma_wait3A_31 = tpu.memref_slice %arg6[%dma_wait3A, %dma_wait3A_30] : memref<2x128xi32, #tpu.memory_space<vmem>> -> memref<1x128xi32, #tpu.memory_space<vmem>>
    %dma_wait3A_32 = tpu.memref_squeeze %dma_wait3A_31 : memref<1x128xi32, #tpu.memory_space<vmem>> -> memref<128xi32, #tpu.memory_space<vmem>>
    %dma_wait3A_33 = arith.constant 0 : i32
    %dma_wait3A_34 = arith.constant 0 : i32
    %dma_wait3A_35 = tpu.memref_slice %arg2[%arg0, %dma_wait3A_33, %dma_wait3A_34] : memref<2x10000x64xf32, #tpu.memory_space<hbm>> -> memref<1x10000x64xf32, #tpu.memory_space<hbm>>
    %dma_wait3A_36 = tpu.memref_squeeze %dma_wait3A_35 : memref<1x10000x64xf32, #tpu.memory_space<hbm>> -> memref<10000x64xf32, #tpu.memory_space<hbm>>
    %dma_wait3A_37 = arith.constant 0 : i32
    %dma_wait3A_38 = arith.constant 0 : i32
    %dma_wait3A_39 = tpu.memref_slice %dma_wait3A_36[%dma_wait3A_37, %dma_wait3A_38] : memref<10000x64xf32, #tpu.memory_space<hbm>> -> memref<10000x64xf32, #tpu.memory_space<hbm>>
    tpu.wait_indirect_dma semaphore(%arg12 : memref<!tpu.dma_semaphore, #tpu.memory_space<semaphore_mem>>) src(%dma_wait3A_39 : memref<10000x64xf32, #tpu.memory_space<hbm>>) dst(%arg8 : memref<128x64xf32, #tpu.memory_space<vmem>>)
    %barrier3A_40 = arith.constant 0 : index
    tpu.barrier barrier_id(%barrier3A_40)
    %lt3A = arith.constant 15 : i32
    %lt3A_41 = arith.cmpi slt, %arg1, %lt3A : i32
    %convert_element_type3A = arith.extui %lt3A_41 : i1 to i32
    %cond3A = arith.constant 0 : i32
    %cond3A_42 = arith.cmpi ne, %convert_element_type3A, %cond3A : i32
    scf.if %cond3A_42 {
      "tpu.region"() ({
        %run_scoped3A = tpu.sem_alloc : memref<!tpu.dma_semaphore, #tpu.memory_space<semaphore_mem>>
        %dma_start3A_47 = arith.constant 0 : i32
        %dma_start3A_48 = tpu.memref_slice %arg4[%arg0, %mul3A_0, %dma_start3A_47] : memref<2x10000x64xf32, #tpu.memory_space<hbm>> -> memref<1x640x64xf32, #tpu.memory_space<hbm>>
        %dma_start3A_49 = tpu.memref_squeeze %dma_start3A_48 : memref<1x640x64xf32, #tpu.memory_space<hbm>> -> memref<640x64xf32, #tpu.memory_space<hbm>>
        %dma_start3A_50 = arith.constant 0 : i32
        %dma_start3A_51 = tpu.memref_slice %arg11[%mul3A_0, %dma_start3A_50] : memref<10240x64xf32, #tpu.memory_space<vmem_shared>> -> memref<640x64xf32, #tpu.memory_space<vmem_shared>>
        tpu.enqueue_dma source(%dma_start3A_51 : memref<640x64xf32, #tpu.memory_space<vmem_shared>>) target(%dma_start3A_49 : memref<640x64xf32, #tpu.memory_space<hbm>>) target_semaphore(%run_scoped3A : memref<!tpu.dma_semaphore, #tpu.memory_space<semaphore_mem>>)
        %dma_wait3A_52 = arith.constant 0 : i32
        %dma_wait3A_53 = tpu.memref_slice %arg4[%arg0, %mul3A_0, %dma_wait3A_52] : memref<2x10000x64xf32, #tpu.memory_space<hbm>> -> memref<1x640x64xf32, #tpu.memory_space<hbm>>
        %dma_wait3A_54 = tpu.memref_squeeze %dma_wait3A_53 : memref<1x640x64xf32, #tpu.memory_space<hbm>> -> memref<640x64xf32, #tpu.memory_space<hbm>>
        %dma_wait3A_55 = arith.constant 0 : i32
        %dma_wait3A_56 = tpu.memref_slice %arg11[%mul3A_0, %dma_wait3A_55] : memref<10240x64xf32, #tpu.memory_space<vmem_shared>> -> memref<640x64xf32, #tpu.memory_space<vmem_shared>>
        tpu.wait_dma2 semaphore(%run_scoped3A : memref<!tpu.dma_semaphore, #tpu.memory_space<semaphore_mem>>) src(%dma_wait3A_56 : memref<640x64xf32, #tpu.memory_space<vmem_shared>>) dst(%dma_wait3A_54 : memref<640x64xf32, #tpu.memory_space<hbm>>)
        tpu.yield
      }) : () -> ()
    } else {
    }
    %eq3A = arith.constant 15 : i32
    %eq3A_43 = arith.cmpi eq, %arg1, %eq3A : i32
    %convert_element_type3A_44 = arith.extui %eq3A_43 : i1 to i32
    %cond3A_45 = arith.constant 0 : i32
    %cond3A_46 = arith.cmpi ne, %convert_element_type3A_44, %cond3A_45 : i32
    scf.if %cond3A_46 {
      "tpu.region"() ({
        %run_scoped3A = tpu.sem_alloc : memref<!tpu.dma_semaphore, #tpu.memory_space<semaphore_mem>>
        %dma_start3A_47 = arith.constant 0 : i32
        %dma_start3A_48 = tpu.memref_slice %arg4[%arg0, %mul3A_0, %dma_start3A_47] : memref<2x10000x64xf32, #tpu.memory_space<hbm>> -> memref<1x400x64xf32, #tpu.memory_space<hbm>>
        %dma_start3A_49 = tpu.memref_squeeze %dma_start3A_48 : memref<1x400x64xf32, #tpu.memory_space<hbm>> -> memref<400x64xf32, #tpu.memory_space<hbm>>
        %dma_start3A_50 = arith.constant 0 : i32
        %dma_start3A_51 = tpu.memref_slice %arg11[%mul3A_0, %dma_start3A_50] : memref<10240x64xf32, #tpu.memory_space<vmem_shared>> -> memref<400x64xf32, #tpu.memory_space<vmem_shared>>
        tpu.enqueue_dma source(%dma_start3A_51 : memref<400x64xf32, #tpu.memory_space<vmem_shared>>) target(%dma_start3A_49 : memref<400x64xf32, #tpu.memory_space<hbm>>) target_semaphore(%run_scoped3A : memref<!tpu.dma_semaphore, #tpu.memory_space<semaphore_mem>>)
        %dma_wait3A_52 = arith.constant 0 : i32
        %dma_wait3A_53 = tpu.memref_slice %arg4[%arg0, %mul3A_0, %dma_wait3A_52] : memref<2x10000x64xf32, #tpu.memory_space<hbm>> -> memref<1x400x64xf32, #tpu.memory_space<hbm>>
        %dma_wait3A_54 = tpu.memref_squeeze %dma_wait3A_53 : memref<1x400x64xf32, #tpu.memory_space<hbm>> -> memref<400x64xf32, #tpu.memory_space<hbm>>
        %dma_wait3A_55 = arith.constant 0 : i32
        %dma_wait3A_56 = tpu.memref_slice %arg11[%mul3A_0, %dma_wait3A_55] : memref<10240x64xf32, #tpu.memory_space<vmem_shared>> -> memref<400x64xf32, #tpu.memory_space<vmem_shared>>
        tpu.wait_dma2 semaphore(%run_scoped3A : memref<!tpu.dma_semaphore, #tpu.memory_space<semaphore_mem>>) src(%dma_wait3A_56 : memref<400x64xf32, #tpu.memory_space<vmem_shared>>) dst(%dma_wait3A_54 : memref<400x64xf32, #tpu.memory_space<hbm>>)
        tpu.yield
      }) : () -> ()
    } else {
    }
    return
  }
}

module attributes {stable_mosaic.version = 14 : i64} {
  func.func @_tc_body(%arg0: i32, %arg1: memref<2x1000x64xf32, #tpu.memory_space<vmem>>, %arg2: memref<2x1000x16xf32, #tpu.memory_space<vmem>>, %arg3: memref<2x1000x64xf32, #tpu.memory_space<vmem>>, %arg4: memref<128x128xf32, #tpu.memory_space<vmem>>, %arg5: memref<1x128xf32, #tpu.memory_space<vmem>>, %arg6: memref<128x128xf32, #tpu.memory_space<vmem>>, %arg7: memref<2x1000x64xf32, #tpu.memory_space<vmem>>) attributes {dimension_semantics = [#tpu.dimension_semantics<arbitrary>], iteration_bounds = array<i64: 10>, scalar_prefetch = 0 : i64, scratch_operands = 0 : i64, tpu.core_type = #tpu.core_type<tc>, window_params = [{transform_indices = @transform_0, window_bounds = array<i64: 2, 1000, 64>}, {transform_indices = @transform_1, window_bounds = array<i64: 2, 1000, 16>}, {transform_indices = @transform_2, window_bounds = array<i64: 2, 1000, 64>}, {pipeline_mode = #tpu.pipeline_mode<synchronous>, transform_indices = @transform_3, window_bounds = array<i64: 128, 128>}, {pipeline_mode = #tpu.pipeline_mode<synchronous>, transform_indices = @transform_4, window_bounds = array<i64: 1, 128>}, {pipeline_mode = #tpu.pipeline_mode<synchronous>, transform_indices = @transform_5, window_bounds = array<i64: 128, 128>}, {transform_indices = @transform_6, window_bounds = array<i64: 2, 1000, 64>}]} {
    %get3A = arith.constant 0 : index
    %get3A_0 = arith.constant 0 : index
    %get3A_1 = arith.constant 0 : index
    %get3A_2 = vector.load %arg1[%get3A, %get3A_0, %get3A_1] : memref<2x1000x64xf32, #tpu.memory_space<vmem>>, vector<1x1000x64xf32>
    %get3A_3 = vector.shape_cast %get3A_2 : vector<1x1000x64xf32> to vector<1000x64xf32>
    %get3A_4 = arith.constant 1 : index
    %get3A_5 = arith.constant 0 : index
    %get3A_6 = arith.constant 0 : index
    %get3A_7 = vector.load %arg1[%get3A_4, %get3A_5, %get3A_6] : memref<2x1000x64xf32, #tpu.memory_space<vmem>>, vector<1x1000x64xf32>
    %get3A_8 = vector.shape_cast %get3A_7 : vector<1x1000x64xf32> to vector<1000x64xf32>
    %concatenate3A = tpu.concatenate %get3A_3, %get3A_8 in 1 : vector<1000x64xf32>, vector<1000x64xf32> -> vector<1000x128xf32>
    %get3A_9 = arith.constant 0 : index
    %get3A_10 = arith.constant 0 : index
    %get3A_11 = arith.constant 0 : index
    %get3A_12 = vector.load %arg3[%get3A_9, %get3A_10, %get3A_11] : memref<2x1000x64xf32, #tpu.memory_space<vmem>>, vector<1x1000x64xf32>
    %get3A_13 = vector.shape_cast %get3A_12 : vector<1x1000x64xf32> to vector<1000x64xf32>
    %get3A_14 = arith.constant 1 : index
    %get3A_15 = arith.constant 0 : index
    %get3A_16 = arith.constant 0 : index
    %get3A_17 = vector.load %arg3[%get3A_14, %get3A_15, %get3A_16] : memref<2x1000x64xf32, #tpu.memory_space<vmem>>, vector<1x1000x64xf32>
    %get3A_18 = vector.shape_cast %get3A_17 : vector<1x1000x64xf32> to vector<1000x64xf32>
    %concatenate3A_19 = tpu.concatenate %get3A_13, %get3A_18 in 1 : vector<1000x64xf32>, vector<1000x64xf32> -> vector<1000x128xf32>
    %get3A_20 = arith.constant 0 : index
    %get3A_21 = arith.constant 0 : index
    %get3A_22 = arith.constant 0 : index
    %get3A_23 = vector.load %arg2[%get3A_20, %get3A_21, %get3A_22] : memref<2x1000x16xf32, #tpu.memory_space<vmem>>, vector<1x1000x1xf32>
    %get3A_24 = vector.shape_cast %get3A_23 : vector<1x1000x1xf32> to vector<1000x1xf32>
    %get3A_25 = arith.constant 1 : index
    %get3A_26 = arith.constant 0 : index
    %get3A_27 = arith.constant 0 : index
    %get3A_28 = vector.load %arg2[%get3A_25, %get3A_26, %get3A_27] : memref<2x1000x16xf32, #tpu.memory_space<vmem>>, vector<1x1000x1xf32>
    %get3A_29 = vector.shape_cast %get3A_28 : vector<1x1000x1xf32> to vector<1000x1xf32>
    %add3A = arith.addf %get3A_24, %get3A_29 : vector<1000x1xf32>
    %mul3A = arith.constant 5.000000e-01 : f32
    %mul3A_30 = vector.broadcast %mul3A : f32 to vector<1000x1xf32>
    %mul3A_31 = arith.mulf %add3A, %mul3A_30 : vector<1000x1xf32>
    %max3A = arith.constant 1.000000e+00 : f32
    %max3A_32 = vector.broadcast %max3A : f32 to vector<1000x1xf32>
    %max3A_33 = arith.maximumf %mul3A_31, %max3A_32 : vector<1000x1xf32>
    %div3A = vector.broadcast %max3A_33 : vector<1000x1xf32> to vector<1000x128xf32>
    %div3A_34 = arith.divf %concatenate3A, %div3A : vector<1000x128xf32>
    %get3A_35 = arith.constant 0 : index
    %get3A_36 = arith.constant 0 : index
    %get3A_37 = vector.load %arg4[%get3A_35, %get3A_36] : memref<128x128xf32, #tpu.memory_space<vmem>>, vector<128x128xf32>
    %dot_general3A = arith.constant dense<0.000000e+00> : vector<1000x128xf32>
    %dot_general3A_38 = tpu.matmul %div3A_34, %get3A_37, %dot_general3A {dimension_numbers = #tpu.dot_dimension_numbers<[1], [0], [0], [1], [0, 0, 1, 1], [], []>, transpose_lhs_hint = false} : vector<1000x128xf32>, vector<128x128xf32>, vector<1000x128xf32> -> vector<1000x128xf32>
    %get3A_39 = arith.constant 0 : index
    %get3A_40 = arith.constant 0 : index
    %get3A_41 = vector.load %arg5[%get3A_39, %get3A_40] : memref<1x128xf32, #tpu.memory_space<vmem>>, vector<1x128xf32>
    %add3A_42 = vector.broadcast %get3A_41 : vector<1x128xf32> to vector<1000x128xf32>
    %add3A_43 = arith.addf %dot_general3A_38, %add3A_42 : vector<1000x128xf32>
    %get3A_44 = arith.constant 0 : index
    %get3A_45 = arith.constant 0 : index
    %get3A_46 = vector.load %arg6[%get3A_44, %get3A_45] : memref<128x128xf32, #tpu.memory_space<vmem>>, vector<128x128xf32>
    %dot_general3A_47 = arith.constant dense<0.000000e+00> : vector<1000x128xf32>
    %dot_general3A_48 = tpu.matmul %concatenate3A_19, %get3A_46, %dot_general3A_47 {dimension_numbers = #tpu.dot_dimension_numbers<[1], [0], [0], [1], [0, 0, 1, 1], [], []>, transpose_lhs_hint = false} : vector<1000x128xf32>, vector<128x128xf32>, vector<1000x128xf32> -> vector<1000x128xf32>
    %add3A_49 = arith.addf %add3A_43, %dot_general3A_48 : vector<1000x128xf32>
    %max3A_50 = arith.constant 0.000000e+00 : f32
    %max3A_51 = vector.broadcast %max3A_50 : f32 to vector<1000x128xf32>
    %max3A_52 = arith.maximumf %add3A_49, %max3A_51 : vector<1000x128xf32>
    %slice3A = vector.extract_strided_slice %max3A_52 {offsets = [0, 0], sizes = [1000, 64], strides = [1, 1]} : vector<1000x128xf32> to vector<1000x64xf32>
    %swap3A = arith.constant 0 : index
    %swap3A_53 = arith.constant 0 : index
    %swap3A_54 = arith.constant 0 : index
    %swap3A_55 = vector.load %arg7[%swap3A, %swap3A_53, %swap3A_54] : memref<2x1000x64xf32, #tpu.memory_space<vmem>>, vector<1x1000x64xf32>
    %swap3A_56 = vector.shape_cast %swap3A_55 : vector<1x1000x64xf32> to vector<1000x64xf32>
    %swap3A_57 = vector.shape_cast %slice3A : vector<1000x64xf32> to vector<1x1000x64xf32>
    tpu.vector_store %arg7[%swap3A, %swap3A_53, %swap3A_54], %swap3A_57 {strides = array<i32>} : memref<2x1000x64xf32, #tpu.memory_space<vmem>>, vector<1x1000x64xf32>,
    %slice3A_58 = vector.extract_strided_slice %max3A_52 {offsets = [0, 64], sizes = [1000, 64], strides = [1, 1]} : vector<1000x128xf32> to vector<1000x64xf32>
    %swap3A_59 = arith.constant 1 : index
    %swap3A_60 = arith.constant 0 : index
    %swap3A_61 = arith.constant 0 : index
    %swap3A_62 = vector.load %arg7[%swap3A_59, %swap3A_60, %swap3A_61] : memref<2x1000x64xf32, #tpu.memory_space<vmem>>, vector<1x1000x64xf32>
    %swap3A_63 = vector.shape_cast %swap3A_62 : vector<1x1000x64xf32> to vector<1000x64xf32>
    %swap3A_64 = vector.shape_cast %slice3A_58 : vector<1000x64xf32> to vector<1x1000x64xf32>
    tpu.vector_store %arg7[%swap3A_59, %swap3A_60, %swap3A_61], %swap3A_64 {strides = array<i32>} : memref<2x1000x64xf32, #tpu.memory_space<vmem>>, vector<1x1000x64xf32>,
    return
  }
  func.func @transform_0(%arg0: i32) -> (i32, i32, i32) {
    %c0_i32 = arith.constant 0 : i32
    %c0_i32_0 = arith.constant 0 : i32
    %c0_i32_1 = arith.constant 0 : i32
    return %c0_i32, %arg0, %c0_i32_0 : i32, i32, i32
  }
  func.func @transform_1(%arg0: i32) -> (i32, i32, i32) {
    %c0_i32 = arith.constant 0 : i32
    %c0_i32_0 = arith.constant 0 : i32
    %c0_i32_1 = arith.constant 0 : i32
    return %c0_i32, %arg0, %c0_i32_0 : i32, i32, i32
  }
  func.func @transform_2(%arg0: i32) -> (i32, i32, i32) {
    %c0_i32 = arith.constant 0 : i32
    %c0_i32_0 = arith.constant 0 : i32
    %c0_i32_1 = arith.constant 0 : i32
    return %c0_i32, %arg0, %c0_i32_0 : i32, i32, i32
  }
  func.func @transform_3(%arg0: i32) -> (i32, i32) {
    %c0_i32 = arith.constant 0 : i32
    %c0_i32_0 = arith.constant 0 : i32
    %c0_i32_1 = arith.constant 0 : i32
    return %c0_i32, %c0_i32_0 : i32, i32
  }
  func.func @transform_4(%arg0: i32) -> (i32, i32) {
    %c0_i32 = arith.constant 0 : i32
    %c0_i32_0 = arith.constant 0 : i32
    %c0_i32_1 = arith.constant 0 : i32
    return %c0_i32, %c0_i32_0 : i32, i32
  }
  func.func @transform_5(%arg0: i32) -> (i32, i32) {
    %c0_i32 = arith.constant 0 : i32
    %c0_i32_0 = arith.constant 0 : i32
    %c0_i32_1 = arith.constant 0 : i32
    return %c0_i32, %c0_i32_0 : i32, i32
  }
  func.func @transform_6(%arg0: i32) -> (i32, i32, i32) {
    %c0_i32 = arith.constant 0 : i32
    %c0_i32_0 = arith.constant 0 : i32
    %c0_i32_1 = arith.constant 0 : i32
    return %c0_i32, %arg0, %c0_i32_0 : i32, i32, i32
  }
}

module attributes {stable_mosaic.version = 14 : i64} {
  func.func @_tc_body(%arg0: i32, %arg1: memref<2x1000x64xf32, #tpu.memory_space<vmem>>, %arg2: memref<2x1000x16xf32, #tpu.memory_space<vmem>>, %arg3: memref<2x1000x64xf32, #tpu.memory_space<vmem>>, %arg4: memref<128x128xf32, #tpu.memory_space<vmem>>, %arg5: memref<1x128xf32, #tpu.memory_space<vmem>>, %arg6: memref<128x128xf32, #tpu.memory_space<vmem>>, %arg7: memref<1000x128xf32, #tpu.memory_space<vmem>>) attributes {dimension_semantics = [#tpu.dimension_semantics<arbitrary>], iteration_bounds = array<i64: 10>, scalar_prefetch = 0 : i64, scratch_operands = 0 : i64, tpu.core_type = #tpu.core_type<tc>, window_params = [{transform_indices = @transform_0, window_bounds = array<i64: 2, 1000, 64>}, {transform_indices = @transform_1, window_bounds = array<i64: 2, 1000, 16>}, {transform_indices = @transform_2, window_bounds = array<i64: 2, 1000, 64>}, {pipeline_mode = #tpu.pipeline_mode<synchronous>, transform_indices = @transform_3, window_bounds = array<i64: 128, 128>}, {pipeline_mode = #tpu.pipeline_mode<synchronous>, transform_indices = @transform_4, window_bounds = array<i64: 1, 128>}, {pipeline_mode = #tpu.pipeline_mode<synchronous>, transform_indices = @transform_5, window_bounds = array<i64: 128, 128>}, {transform_indices = @transform_6, window_bounds = array<i64: 1000, 128>}]} {
    %get3A = arith.constant 0 : index
    %get3A_0 = arith.constant 0 : index
    %get3A_1 = arith.constant 0 : index
    %get3A_2 = vector.load %arg1[%get3A, %get3A_0, %get3A_1] : memref<2x1000x64xf32, #tpu.memory_space<vmem>>, vector<1x1000x64xf32>
    %get3A_3 = vector.shape_cast %get3A_2 : vector<1x1000x64xf32> to vector<1000x64xf32>
    %get3A_4 = arith.constant 1 : index
    %get3A_5 = arith.constant 0 : index
    %get3A_6 = arith.constant 0 : index
    %get3A_7 = vector.load %arg1[%get3A_4, %get3A_5, %get3A_6] : memref<2x1000x64xf32, #tpu.memory_space<vmem>>, vector<1x1000x64xf32>
    %get3A_8 = vector.shape_cast %get3A_7 : vector<1x1000x64xf32> to vector<1000x64xf32>
    %concatenate3A = tpu.concatenate %get3A_3, %get3A_8 in 1 : vector<1000x64xf32>, vector<1000x64xf32> -> vector<1000x128xf32>
    %get3A_9 = arith.constant 0 : index
    %get3A_10 = arith.constant 0 : index
    %get3A_11 = arith.constant 0 : index
    %get3A_12 = vector.load %arg3[%get3A_9, %get3A_10, %get3A_11] : memref<2x1000x64xf32, #tpu.memory_space<vmem>>, vector<1x1000x64xf32>
    %get3A_13 = vector.shape_cast %get3A_12 : vector<1x1000x64xf32> to vector<1000x64xf32>
    %get3A_14 = arith.constant 1 : index
    %get3A_15 = arith.constant 0 : index
    %get3A_16 = arith.constant 0 : index
    %get3A_17 = vector.load %arg3[%get3A_14, %get3A_15, %get3A_16] : memref<2x1000x64xf32, #tpu.memory_space<vmem>>, vector<1x1000x64xf32>
    %get3A_18 = vector.shape_cast %get3A_17 : vector<1x1000x64xf32> to vector<1000x64xf32>
    %concatenate3A_19 = tpu.concatenate %get3A_13, %get3A_18 in 1 : vector<1000x64xf32>, vector<1000x64xf32> -> vector<1000x128xf32>
    %get3A_20 = arith.constant 0 : index
    %get3A_21 = arith.constant 0 : index
    %get3A_22 = arith.constant 0 : index
    %get3A_23 = vector.load %arg2[%get3A_20, %get3A_21, %get3A_22] : memref<2x1000x16xf32, #tpu.memory_space<vmem>>, vector<1x1000x1xf32>
    %get3A_24 = vector.shape_cast %get3A_23 : vector<1x1000x1xf32> to vector<1000x1xf32>
    %get3A_25 = arith.constant 1 : index
    %get3A_26 = arith.constant 0 : index
    %get3A_27 = arith.constant 0 : index
    %get3A_28 = vector.load %arg2[%get3A_25, %get3A_26, %get3A_27] : memref<2x1000x16xf32, #tpu.memory_space<vmem>>, vector<1x1000x1xf32>
    %get3A_29 = vector.shape_cast %get3A_28 : vector<1x1000x1xf32> to vector<1000x1xf32>
    %add3A = arith.addf %get3A_24, %get3A_29 : vector<1000x1xf32>
    %mul3A = arith.constant 5.000000e-01 : f32
    %mul3A_30 = vector.broadcast %mul3A : f32 to vector<1000x1xf32>
    %mul3A_31 = arith.mulf %add3A, %mul3A_30 : vector<1000x1xf32>
    %max3A = arith.constant 1.000000e+00 : f32
    %max3A_32 = vector.broadcast %max3A : f32 to vector<1000x1xf32>
    %max3A_33 = arith.maximumf %mul3A_31, %max3A_32 : vector<1000x1xf32>
    %div3A = vector.broadcast %max3A_33 : vector<1000x1xf32> to vector<1000x128xf32>
    %div3A_34 = arith.divf %concatenate3A, %div3A : vector<1000x128xf32>
    %get3A_35 = arith.constant 0 : index
    %get3A_36 = arith.constant 0 : index
    %get3A_37 = vector.load %arg4[%get3A_35, %get3A_36] : memref<128x128xf32, #tpu.memory_space<vmem>>, vector<128x128xf32>
    %dot_general3A = arith.constant dense<0.000000e+00> : vector<1000x128xf32>
    %dot_general3A_38 = tpu.matmul %div3A_34, %get3A_37, %dot_general3A {dimension_numbers = #tpu.dot_dimension_numbers<[1], [0], [0], [1], [0, 0, 1, 1], [], []>, transpose_lhs_hint = false} : vector<1000x128xf32>, vector<128x128xf32>, vector<1000x128xf32> -> vector<1000x128xf32>
    %get3A_39 = arith.constant 0 : index
    %get3A_40 = arith.constant 0 : index
    %get3A_41 = vector.load %arg5[%get3A_39, %get3A_40] : memref<1x128xf32, #tpu.memory_space<vmem>>, vector<1x128xf32>
    %add3A_42 = vector.broadcast %get3A_41 : vector<1x128xf32> to vector<1000x128xf32>
    %add3A_43 = arith.addf %dot_general3A_38, %add3A_42 : vector<1000x128xf32>
    %get3A_44 = arith.constant 0 : index
    %get3A_45 = arith.constant 0 : index
    %get3A_46 = vector.load %arg6[%get3A_44, %get3A_45] : memref<128x128xf32, #tpu.memory_space<vmem>>, vector<128x128xf32>
    %dot_general3A_47 = arith.constant dense<0.000000e+00> : vector<1000x128xf32>
    %dot_general3A_48 = tpu.matmul %concatenate3A_19, %get3A_46, %dot_general3A_47 {dimension_numbers = #tpu.dot_dimension_numbers<[1], [0], [0], [1], [0, 0, 1, 1], [], []>, transpose_lhs_hint = false} : vector<1000x128xf32>, vector<128x128xf32>, vector<1000x128xf32> -> vector<1000x128xf32>
    %add3A_49 = arith.addf %add3A_43, %dot_general3A_48 : vector<1000x128xf32>
    %swap3A = arith.constant 0 : index
    %swap3A_50 = arith.constant 0 : index
    %swap3A_51 = vector.load %arg7[%swap3A, %swap3A_50] : memref<1000x128xf32, #tpu.memory_space<vmem>>, vector<1000x128xf32>
    tpu.vector_store %arg7[%swap3A, %swap3A_50], %add3A_49 {strides = array<i32>} : memref<1000x128xf32, #tpu.memory_space<vmem>>, vector<1000x128xf32>,
    return
  }
  func.func @transform_0(%arg0: i32) -> (i32, i32, i32) {
    %c0_i32 = arith.constant 0 : i32
    %c0_i32_0 = arith.constant 0 : i32
    %c0_i32_1 = arith.constant 0 : i32
    return %c0_i32, %arg0, %c0_i32_0 : i32, i32, i32
  }
  func.func @transform_1(%arg0: i32) -> (i32, i32, i32) {
    %c0_i32 = arith.constant 0 : i32
    %c0_i32_0 = arith.constant 0 : i32
    %c0_i32_1 = arith.constant 0 : i32
    return %c0_i32, %arg0, %c0_i32_0 : i32, i32, i32
  }
  func.func @transform_2(%arg0: i32) -> (i32, i32, i32) {
    %c0_i32 = arith.constant 0 : i32
    %c0_i32_0 = arith.constant 0 : i32
    %c0_i32_1 = arith.constant 0 : i32
    return %c0_i32, %arg0, %c0_i32_0 : i32, i32, i32
  }
  func.func @transform_3(%arg0: i32) -> (i32, i32) {
    %c0_i32 = arith.constant 0 : i32
    %c0_i32_0 = arith.constant 0 : i32
    %c0_i32_1 = arith.constant 0 : i32
    return %c0_i32, %c0_i32_0 : i32, i32
  }
  func.func @transform_4(%arg0: i32) -> (i32, i32) {
    %c0_i32 = arith.constant 0 : i32
    %c0_i32_0 = arith.constant 0 : i32
    %c0_i32_1 = arith.constant 0 : i32
    return %c0_i32, %c0_i32_0 : i32, i32
  }
  func.func @transform_5(%arg0: i32) -> (i32, i32) {
    %c0_i32 = arith.constant 0 : i32
    %c0_i32_0 = arith.constant 0 : i32
    %c0_i32_1 = arith.constant 0 : i32
    return %c0_i32, %c0_i32_0 : i32, i32
  }
  func.func @transform_6(%arg0: i32) -> (i32, i32) {
    %c0_i32 = arith.constant 0 : i32
    %c0_i32_0 = arith.constant 0 : i32
    return %arg0, %c0_i32 : i32, i32
  }
}

</mosaic_0001>

<sc_bundles>
// kernel: kernel.10.cloned.1.call-start
scs
__scs_entry_jumppad:
0x0: {  	(pc) =	sbr.rel $0x88, $3  }
0x1: {  	(tag) =	ssettag $0x0;
	lr =	simm.s32 $0x1  }
0x2: {  	[smem:$0x3F99] =	sst lr;
	_ =	strace $0xD0000000  }
0x3: {  	_ = 	snop  }
0x4: {  	_ = 	snop  }
0x5: {  	_ = 	snop  }
0x6: {  	_ = 	snop  }
0x7: {  	_ = 	snop  }
__scs_overlays_trampoline_lowered:
0x8: {  	[smem:$0x3FA8] =	sst s0  }
0x9: {  	[smem:$0x3FA9] =	sst s1  }
0xa: {  	[smem:$0x3FAA] =	sst s2  }
0xb: {  	[smem:$0x3FAB] =	sst s3  }
0xc: {  	[smem:$0x3FAC] =	sst s4  }
0xd: {  	[smem:$0x3FAD] =	sst s5  }
0xe: {  	[smem:$0x3FAE] =	sst s6  }
0xf: {  	[smem:$0x3FAF] =	sst s7  }
0x10: {  	[smem:$0x3FB0] =	sst s8  }
0x11: {  	[smem:$0x3FB1] =	sst s9;
	s0 =	simm.s32 @!p0 $0x0  }
0x12: {  	s1 =	sld [smem:$0x3F97];
	s0 =	simm.s32 @p0 $0x1  }
0x13: {  	[smem:$0x3FB2] =	sst s0;
	s0 =	simm.s32 @!p1 $0x0  }
0x14: {  	s2 =	sld [smem:$0x3F96];
	s0 =	simm.s32 @p1 $0x1  }
0x15: {  	[smem:$0x3FB3] =	sst s0;
	s0 =	simm.s32 @!p2 $0x0  }
0x16: {  	s3 =	sld [smem:$0x3FDB];
	s0 =	simm.s32 @p2 $0x1  }
0x17: {  	s4 =	simm.s32 $0x1BF5;
	[smem:$0x3FB5] =	sst s0  }
0x18: {  	s0 =	sld [smem:$0x3F98];
	_ =	swait.ge [sflag:s4], $0x0  }
0x19: {  	s7 =	sld [smem:$0x3F99]  }
0x1a: {  	s8 =	sadd.s32 $0xFFFFE003, lr  }
0x1b: {  	s9 =	sadd.s32 $0xFFFFFEF7, lr;
	s5 =	simm.s32 $0xFFFFFFFF;
	p2 =	slt.u32 s8, $0xFFFFF086  }
0x1c: {  	p1 =	slt.u32 s9, $0xF7A;
	s5 =	simm.s32 @!p2 $0x0  }
0x1d: {  	s5 =	simm.s32 @p1 $0x1;
	p0 =	seq.s32 s7, s2  }
0x1e: {  	s7 =	smul.u32 @!p0 $0xF7A, s2;
	p2 =	seq.s32 @!p0 s5, $0x0  }
0x1f: {  	s9 =	smul.u32 $0xF7A, s1;
	s8 =	simm.s32 @!p0 $0x1BF5;
	p2 =	por !p2, p0  }
0x20: {  	[sflag:s8] =	ssyncset.s32 @!p0 $0xFFFFF086;
	s6 =	sadd.s32 @!p0 s3, s7;
	s7 =	simm.s32 @!p0 $0x108  }
0x21: {  	s3 =	sadd.s32 s3, s9;
	s6 =	sadd.s32 @!p0 $0x88, s6;
	s7 =	simm.s32 @p2 $0x1082  }
0x22: {  	[simem:s7], [sflag:s8] =	dma.local @!p0 [hbm:s6], $0xF7A  }
0x23: {  	s9 =	sor.u32 $0xD0000000, s2;
	s6 =	simm.s32 $0x108;
	_ =	swait.ge @!p0 [sflag:s8], $0x0  }
0x24: {  	s3 =	sadd.s32 $0x88, s3;
	s6 =	simm.s32 @!p1 $0x1082;
	[sflag:s4] =	ssyncset.s32 $0xFFFFF086  }
0x25: {  	[simem:s6], [sflag:s4] =	dma.local [hbm:s3], $0xF7A  }
0x26: {  	[smem:$0x3F99] =	sst s1;
	(tag) =	ssettag s2;
	_ =	strace s9  }
0x27: {  	s1 =	sld [smem:$0x3FA9]  }
0x28: {  	s2 =	sld [smem:$0x3FAA]  }
0x29: {  	s4 =	sld [smem:$0x3FAC]  }
0x2a: {  	p0 =	seq.s32 s5, $0x0;
	s5 =	sld [smem:$0x3FAD]  }
0x2b: {  	s6 =	sld [smem:$0x3FAE]  }
0x2c: {  	s7 =	sld [smem:$0x3FAF]  }
0x2d: {  	s3 =	simm.s32 $0x108;
	s8 =	sld [smem:$0x3FB0]  }
0x2e: {  	s3 =	simm.s32 @!p0 $0x1082;
	s9 =	sld [smem:$0x3FB1]  }
0x2f: {  	lr =	sadd.s32 s0, s3;
	s0 =	sld [smem:$0x3FA8]  }
0x30: {  	s3 =	sld [smem:$0x3FAB]  }
0x31: {  	[smem:$0x3FB4] =	sst s10  }
0x32: {  	s10 =	sld [smem:$0x3FB2];
	_ =	sdelay $0x3  }
0x33: {  	p0 =	seq.s32 s10, $0x1;
	s10 =	sld [smem:$0x3FB4];
	_ =	sdelay $0x3  }
0x34: {  	[smem:$0x3FB4] =	sst s10  }
0x35: {  	s10 =	sld [smem:$0x3FB3];
	_ =	sdelay $0x3  }
0x36: {  	p1 =	seq.s32 s10, $0x1;
	s10 =	sld [smem:$0x3FB4];
	_ =	sdelay $0x3  }
0x37: {  	[smem:$0x3FB4] =	sst s10  }
0x38: {  	s10 =	sld [smem:$0x3FB5]  }
0x39: {  	_ = 	snop;
	(pc) =	sbr.ind lr, $3  }
0x3a: {  	_ = 	snop  }
0x3b: {  	_ = 	snop  }
0x3c: {  	p2 =	seq.s32 s10, $0x1;
	s10 =	sld [smem:$0x3FB4]  }
0x3d: {  	_ =	shalt  }
0x3e: {  	_ =	shalt  }
0x3f: {  	_ =	shalt  }
0x40: {  	_ =	shalt  }
0x41: {  	_ =	shalt  }
0x42: {  	_ =	shalt  }
0x43: {  	_ =	shalt  }
0x44: {  	_ =	shalt  }
0x45: {  	_ =	shalt  }
0x46: {  	_ =	shalt  }
0x47: {  	_ =	shalt  }
0x48: {  	_ =	shalt  }
0x49: {  	_ =	shalt  }
0x4a: {  	_ =	shalt  }
0x4b: {  	_ =	shalt  }
0x4c: {  	_ =	shalt  }
0x4d: {  	_ =	shalt  }
0x4e: {  	_ =	shalt  }
0x4f: {  	_ =	shalt  }
0x50: {  	_ =	shalt  }
0x51: {  	_ =	shalt  }
0x52: {  	_ =	shalt  }
0x53: {  	_ =	shalt  }
0x54: {  	_ =	shalt  }
0x55: {  	_ =	shalt  }
0x56: {  	_ =	shalt  }
0x57: {  	_ =	shalt  }
0x58: {  	_ =	shalt  }
0x59: {  	_ =	shalt  }
0x5a: {  	_ =	shalt  }
0x5b: {  	_ =	shalt  }
0x5c: {  	_ =	shalt  }
0x5d: {  	_ =	shalt  }
0x5e: {  	_ =	shalt  }
0x5f: {  	_ =	shalt  }
0x60: {  	_ =	shalt  }
0x61: {  	_ =	shalt  }
0x62: {  	_ =	shalt  }
0x63: {  	_ =	shalt  }
0x64: {  	_ =	shalt  }
0x65: {  	_ =	shalt  }
0x66: {  	_ =	shalt  }
0x67: {  	_ =	shalt  }
0x68: {  	_ =	shalt  }
0x69: {  	_ =	shalt  }
0x6a: {  	_ =	shalt  }
0x6b: {  	_ =	shalt  }
0x6c: {  	_ =	shalt  }
0x6d: {  	_ =	shalt  }
0x6e: {  	_ =	shalt  }
0x6f: {  	_ =	shalt  }
0x70: {  	_ =	shalt  }
0x71: {  	_ =	shalt  }
0x72: {  	_ =	shalt  }
0x73: {  	_ =	shalt  }
0x74: {  	_ =	shalt  }
0x75: {  	_ =	shalt  }
0x76: {  	_ =	shalt  }
0x77: {  	_ =	shalt  }
0x78: {  	_ =	shalt  }
0x79: {  	_ =	shalt  }
0x7a: {  	_ =	shalt  }
0x7b: {  	_ =	shalt  }
0x7c: {  	_ =	shalt  }
0x7d: {  	_ =	shalt  }
0x7e: {  	_ =	shalt  }
0x7f: {  	_ =	shalt  }
0x80: {  	_ =	shalt  }
0x81: {  	_ =	shalt  }
0x82: {  	_ =	shalt  }
0x83: {  	_ =	shalt  }
0x84: {  	_ =	shalt  }
0x85: {  	_ =	shalt  }
0x86: {  	_ =	shalt  }
0x87: {  	_ =	shalt  }
.Lfunc_end0:
.L_simem_size_0:
called_computation.1_lowered:
.L_overlay_start_0:
0x88: {  	s2 =	sld [smem:$0x3FD9]  }
0x89: {  	s3 =	sld [smem:$0x3FFE];
	_ =	sdelay $0x1  }
0x8a: {  	s1 =	srdreg.scid  }
0x8b: {  	s0 =	sand.u32 $0x1, s1  }
0x8c: {  	s17 =	sshll.u32 s0, $0xA;
	s2 =	sadd.s32 s3, s2  }
0x8d: {  	s2 =	sadd.s32 s2, s17  }
0x8e: {  	[smem:$0x3FC0] =	sst s2  }
0x8f: {  	_ = 	snop  }
0x90: {  	s2 =	sld [smem:$0x3FD0];
	(tm) =	ssettm $0x1  }
0x91: {  	s18 =	sld [smem:$0x3FFB];
	_ =	sdelay $0x3  }
0x92: {  	_ =	strace s18  }
0x93: {  	s3 =	sld [smem:$0x3FFC];
	_ =	sdelay $0x3  }
0x94: {  	_ =	strace s3  }
0x95: {  	s3 =	sld [smem:$0x3FFD];
	_ =	sdelay $0x3  }
0x96: {  	_ =	strace s3  }
0x97: {  	_ =	strace $0x8FFFFFFF  }
0x98: {  	s19 =	sld [smem:$0x3FDB];
	_ =	sdelay $0x1  }
0x99: {  	s4 =	simm.s32 $_scs_section_size  }
0x9a: {  	s5 =	simm.s32 $_size__tile_overlayer_lowered;
	s6 =	simm.s32 $_tile_overlayer_lowered  }
0x9b: {  	s22 =	simm.s32 $0x1BFF;
	s21 =	sshll.u32 s6, $0x1;
	s3 =	sadd.s32 s4, s19  }
0x9c: {  	s7 =	simm.s32 $0x0;
	s20 =	sshll.u32 s5, $0x1;
	s5 =	sadd.s32 s21, s3  }
0x9d: {  	[timem:s7], [sflag:s22] =	dma.local [hbm:s5], s20  }
0x9e: {  	_ =	swait.ge [sflag:s22], s20  }
0x9f: {  	s4 =	ssub.s32 $0x0, s20;
	[sflag:s22] =	ssyncset.done $0x0  }
0xa0: {  	[sflag:s22] =	ssyncadd.s32 s4;
	_ =	sdelay $0x1  }
0xa1: {  	s23 =	simm.s32 $0x1B8B  }
0xa2: {  	_ =	swait.ge [sflag:s23], $0x1  }
0xa3: {  	[sflag:s23] =	ssyncset.done $0x0  }
0xa4: {  	s25 =	simm.s32 $0x1B8E;
	s24 =	sld [smem:$0x3FFE];
	[sflag:s23] =	ssyncadd.s32 $0xFFFFFFFF  }
0xa5: {  	s26 =	simm.s32 $execute0_lowered;
	[smem:$0x3FD2] =	sst s25  }
0xa6: {  	s5 =	sshll.u32 s26, $0x1;
	_ =	strace $0x80000046;
	[dreg:$0x1] =	wrdreg $0xFFFFFFFF  }
0xa7: {  	s28 =	simm.s32 $_size_execute0_lowered;
	s3 =	sadd.s32 s3, s5;
	[dreg:$0x0] =	wrdreg $0x0  }
0xa8: {  	s5 =	sshll.u32 s28, $0x1;
	[dreg:$0x2] =	wrdreg s3  }
0xa9: {  	[dreg:$0x3] =	wrdreg s5  }
0xaa: {  	[dreg:$0x4] =	wrdreg $0xC0  }
0xab: {  	_ =	task [dreg:s7], $0x5FFFF  }
0xac: {  	[dreg:$0x1] =	wrdreg $0xFFFFFFFF  }
0xad: {  	[dreg:$0x0] =	wrdreg $0x60  }
0xae: {  	[dreg:$0x2] =	wrdreg s2  }
0xaf: {  	[dreg:$0x3] =	wrdreg s24  }
0xb0: {  	[dreg:$0x4] =	wrdreg $0xB2000  }
0xb1: {  	[dreg:$0x5] =	wrdreg $0xA  }
0xb2: {  	_ =	task.clear_ibuf [dreg:s7], $0x6FFFF;
	_ =	strace $0x90000046  }
0xb3: {  	s29 =	simm.s32 $0xA;
	_ =	strace $0x80000048  }
0xb4: {  	_ =	swait.ge [sflag:s29], $0x1  }
0xb5: {  	[sflag:s29] =	ssyncadd.s32 $0xFFFFFFFF  }
0xb6: {  	_ =	strace $0x90000048  }
0xb7: {  	_ =	sfence  }
0xb8: {  	s30 =	sld [smem:$0x0];
	_ =	sdelay $0x2  }
0xb9: {  	s31 =	sshll.u32 s1, $0xD;
	s1 =	sshrl.u32 s1, $0x2  }
0xba: {  	s3 =	sand.u32 $0x4000, s31;
	s1 =	sadd.s32 s1, s30  }
0xbb: {  	s0 =	sor.u32 s3, s0;
	s1 =	sshll.u32 s1, $0x11  }
0xbc: {  	s0 =	sor.u32 s1, s0  }
0xbd: {  	s0 =	sadd.s32 $0x8F2B, s0  }
0xbe: {  	[sflag:s0] =	ssyncadd.remote.s32 $0x1  }
0xbf: {  	_ =	sfence.sel $0xFFFF  }
0xc0: {  	[dreg:$0x0] =	wrdreg $0xFFFFFFFF;
	(pc) =	sbr.abs _section_cstart, $3  }
0xc1: {  	[dreg:$0x1] =	wrdreg $0xFFFFFFFF  }
0xc2: {  	_ =	task.clear_ibuf [dreg:s7], $0x2FFFF;
	_ =	strace $0x9FFFFFFF  }
0xc3: {  	(tm) =	ssettm $0x7FFFFFFF  }
tec
execute0_lowered:
.L_overlay_start_1:
0x0: {  	(tag) =	ssettag $0x1  }
0x1: {  	s6 =	rddreg [dreg:$0x0]  }
0x2: {  	s4 =	rddreg [dreg:$0x1]  }
0x3: {  	s2 =	rddreg [dreg:$0x2]  }
0x4: {  	s0 =	rddreg [dreg:$0x3];
	s1 =	stileid.u32  }
0x5: {  	s3 =	simm.s32 $0x0;
	s7 =	srdreg.scid;
	s14 =	simm.s32 $0x9200  }
0x6: {  	s15 =	simm.s32 $0x3;
	s16 =	simm.s32 $0x80;
	s17 =	simm.s32 $0x5000  }
0x7: {  	s18 =	simm.s32 $0x5200;
	s19 =	simm.s32 $0x5080;
	s20 =	simm.s32 $0x7200  }
0x8: {  	s21 =	simm.s32 $0x1;
	s22 =	simm.s32 $0x5100;
	s5 =	smul.u32 $0xA00, s1  }
0x9: {  	s23 =	simm.s32 $0x2;
	s26 =	simm.s32 $0x5180;
	s8 =	smul.u32 $0x28000, s1  }
0xa: {  	[smem:$0x7FF] =	sst s3;
	s7 =	sand.u32 $0x1, s7;
	s11 =	smul.u32 $0xA000, s1  }
0xb: {  	s12 =	sadd.s32 $0x5AA00, s4;
	s24 =	sadd.s32 $0x96000, s2;
	p0 =	seq.s32 s1, $0xF  }
0xc: {  	_ =	strace $0x80000047;
	s9 =	ssub.s32 $0x2, s7;
	s7 =	smul.u32 $0x9C400, s7  }
0xd: {  	s24 =	sshrl.u32 @p0 s24, $0x3;
	s5 =	sadd.s32 s5, s4;
	s10 =	sshrl.u32 s9, $0x1  }
0xe: {  	s30 =	sshrl.u32 s8, $0x2;
	s25 =	sadd.s32 s11, s2;
	s9 =	ssub.s32 s9, s10  }
0xf: {  	s4 =	sadd.s32 s30, s2;
	s31 =	sshrl.u32 s7, $0x3;
	s7 =	sadd.s32 s11, s7  }
0x10: {  	s5 =	sadd.s32 $0x50A00, s5;
	s25 =	sshrl.u32 @!p0 s25, $0x3;
	s6 =	sadd.s32 s6, s31  }
0x11: {  	s7 =	sshrl.u32 s7, $0x3;
	s8 =	sadd.s32 s12, s31;
	s9 =	smax.u32 s9, $0x1  }
0x12: {  	s10 =	sadd.s32 $0x2000, s4;
	s11 =	sadd.s32 $0x4000, s4;
	s13 =	sadd.s32 $0x8000, s4  }
0x13: {  	v0 =	vimm.f32 $0.0e+00;
	s7 =	sadd.s32 s12, s7;
	s8 =	sadd.s32 $0x12C00, s8;
	s12 =	sadd.s32 $0x6000, s4  }
.LBB2_1:
0x14: {  	s29 =	simm.s32 $0x100;
	s28 =	simm.s32 $0x0  }
.LBB2_2:
0x15: {  	p1 =	sne.s32 s29, $0x7F00;
	[tilespmem:s28+$0x9230] =	vst v0;
	s30 =	smov.u32 s29;
	s29 =	sadd.s32 $0x100, s29  }
.Ltmp0:
0x16: {  	[tilespmem:s28+$0x9220] =	vst v0;
	(pc) =	sbr.rel @p1 .LBB2_2-.Ltmp0, $3  }
0x17: {  	[tilespmem:s28+$0x9200] =	vst v0  }
0x18: {  	[tilespmem:s28+$0x9210] =	vst v0;
	_ =	sdelay $0x1  }
0x19: {  	s28 =	sshra.s32 s30, $0x2  }
0x1a: {  	[tilespmem:s28+$0x9230] =	vst v0  }
0x1b: {  	[tilespmem:s28+$0x9220] =	vst v0  }
0x1c: {  	[tilespmem:s28+$0x9200] =	vst v0  }
0x1d: {  	[tilespmem:s28+$0x9210] =	vst v0  }
0x1e: {  	[spmem:s4] =	stream.linear.scatter [tilespmem:s14], [sflag:$0x3], $0x2000, $0x38;
	[tilespmem:$0x15200] =	vst v63  }
0x1f: {  	_ =	swait.ge [sflag:s15], $0x2000  }
0x20: {  	[sflag:s15] =	ssyncset.done $0x0  }
0x21: {  	[sflag:s15] =	ssyncadd.s32 $0xFFFFE000  }
0x22: {  	[spmem:s10] =	stream.linear.scatter [tilespmem:s14], [sflag:$0x3], $0x2000, $0x38;
	[tilespmem:$0x15200] =	vst v63  }
0x23: {  	_ =	swait.ge [sflag:s15], $0x2000  }
0x24: {  	[sflag:s15] =	ssyncset.done $0x0  }
0x25: {  	[sflag:s15] =	ssyncadd.s32 $0xFFFFE000  }
0x26: {  	[spmem:s11] =	stream.linear.scatter [tilespmem:s14], [sflag:$0x3], $0x2000, $0x38;
	[tilespmem:$0x15200] =	vst v63  }
0x27: {  	_ =	swait.ge [sflag:s15], $0x2000  }
0x28: {  	[sflag:s15] =	ssyncset.done $0x0  }
0x29: {  	[sflag:s15] =	ssyncadd.s32 $0xFFFFE000  }
0x2a: {  	[spmem:s12] =	stream.linear.scatter [tilespmem:s14], [sflag:$0x3], $0x2000, $0x38;
	[tilespmem:$0x15200] =	vst v63  }
0x2b: {  	_ =	swait.ge [sflag:s15], $0x2000  }
0x2c: {  	[sflag:s15] =	ssyncset.done $0x0  }
0x2d: {  	[sflag:s15] =	ssyncadd.s32 $0xFFFFE000  }
0x2e: {  	[spmem:s13] =	stream.linear.scatter [tilespmem:s14], [sflag:$0x3], $0x2000, $0x38;
	[tilespmem:$0x15200] =	vst v63  }
0x2f: {  	_ =	swait.ge [sflag:s15], $0x2000  }
0x30: {  	[sflag:s15] =	ssyncset.done $0x0  }
0x31: {  	s28 =	simm.s32 $0x0;
	[sflag:s15] =	ssyncadd.s32 $0xFFFFE000  }
0x32: {  	[tilespmem:s28], [sflag:$0x3] =	stream.linear.gather [hbm4b:s5+s28], $0x5000, $0x38;
	[tilespmem:$0x15200] =	vst v63  }
0x33: {  	_ =	swait.ge [sflag:s15], $0x5000  }
0x34: {  	[sflag:s15] =	ssyncset.done $0x0  }
0x35: {  	[sflag:s15] =	ssyncadd.s32 $0xFFFFB000  }
0x36: {  	[bflag:$0x0] =	sbarrier.arrive $0xFFFF  }
0x37: {  	v1 =	vld [tilespmem:$0x0];
	_ =	sdelay $0x1  }
0x38: {  	v2 =	vld [tilespmem:$0x10];
	_ =	sdelay $0x1  }
0x39: {  	v3 =	vld [tilespmem:$0x20]  }
0x3a: {  	v4 =	vand.u32 $0xFFFF, v1  }
0x3b: {  	v62 =	vld [tilespmem:$0x30];
	v1 =	vshrl.u32 v1, $0x10;
	[tilespmem:$0x5000] =	vst v4  }
0x3c: {  	[tilespmem:$0x5100] =	vst v1;
	v1 =	vand.u32 $0xFFFF, v2  }
0x3d: {  	[tilespmem:$0x5010] =	vst v1;
	v1 =	vshrl.u32 v2, $0x10;
	v2 =	vld [tilespmem:$0x40]  }
0x3e: {  	[tilespmem:$0x5110] =	vst v1;
	v1 =	vand.u32 $0xFFFF, v3  }
0x3f: {  	[tilespmem:$0x5020] =	vst v1;
	v1 =	vshrl.u32 v3, $0x10;
	v3 =	vld [tilespmem:$0x50]  }
0x40: {  	[tilespmem:$0x5120] =	vst v1;
	v1 =	vand.u32 $0xFFFF, v62  }
0x41: {  	v63 =	vld [tilespmem:$0x60];
	[tilespmem:$0x5030] =	vst v1;
	v1 =	vshrl.u32 v62, $0x10  }
0x42: {  	[tilespmem:$0x5130] =	vst v1;
	v1 =	vand.u32 $0xFFFF, v2  }
0x43: {  	[tilespmem:$0x5040] =	vst v1;
	v1 =	vshrl.u32 v2, $0x10;
	v2 =	vld [tilespmem:$0x70]  }
0x44: {  	[tilespmem:$0x5140] =	vst v1;
	v1 =	vand.u32 $0xFFFF, v3  }
0x45: {  	[tilespmem:$0x5050] =	vst v1;
	v1 =	vshrl.u32 v3, $0x10  }
0x46: {  	[tilespmem:$0x5150] =	vst v1;
	v1 =	vand.u32 $0xFFFF, v63  }
0x47: {  	[tilespmem:$0x5060] =	vst v1;
	v1 =	vshrl.u32 v63, $0x10  }
0x48: {  	[tilespmem:$0x5160] =	vst v1;
	v1 =	vand.u32 $0xFFFF, v2  }
0x49: {  	[tilespmem:$0x5070] =	vst v1;
	v1 =	vshrl.u32 v2, $0x10  }
0x4a: {  	s28 =	simm.s32 $0x0;
	[tilespmem:$0x5170] =	vst v1  }
0x4b: {  	[tilespmem:s18], [sflag:$0x1] =	stream.indirect.gather [hbm4b:s6+s16], $0x40, s17, s16, $0xb8;
	[tilespmem:$0x15200] =	vst v63  }
0x4c: {  	v1 =	vld [tilespmem:s28+$0x80];
	_ =	sdelay $0x4  }
0x4d: {  	v2 =	vand.u32 $0xFFFF, v1  }
0x4e: {  	v1 =	vshrl.u32 v1, $0x10;
	[tilespmem:$0x5080] =	vst v2  }
0x4f: {  	[tilespmem:$0x5180] =	vst v1  }
0x50: {  	v1 =	vld [tilespmem:s28+$0x90];
	_ =	sdelay $0x4  }
0x51: {  	v2 =	vand.u32 $0xFFFF, v1  }
0x52: {  	v1 =	vshrl.u32 v1, $0x10;
	[tilespmem:$0x5090] =	vst v2  }
0x53: {  	[tilespmem:$0x5190] =	vst v1  }
0x54: {  	v1 =	vld [tilespmem:s28+$0xA0];
	_ =	sdelay $0x4  }
0x55: {  	v2 =	vand.u32 $0xFFFF, v1  }
0x56: {  	v1 =	vshrl.u32 v1, $0x10;
	[tilespmem:$0x50A0] =	vst v2  }
0x57: {  	[tilespmem:$0x51A0] =	vst v1  }
0x58: {  	v1 =	vld [tilespmem:s28+$0xB0];
	_ =	sdelay $0x4  }
0x59: {  	v2 =	vand.u32 $0xFFFF, v1  }
0x5a: {  	v1 =	vshrl.u32 v1, $0x10;
	[tilespmem:$0x50B0] =	vst v2  }
0x5b: {  	[tilespmem:$0x51B0] =	vst v1  }
0x5c: {  	v1 =	vld [tilespmem:s28+$0xC0];
	_ =	sdelay $0x4  }
0x5d: {  	v2 =	vand.u32 $0xFFFF, v1  }
0x5e: {  	v1 =	vshrl.u32 v1, $0x10;
	[tilespmem:$0x50C0] =	vst v2  }
0x5f: {  	[tilespmem:$0x51C0] =	vst v1  }
0x60: {  	v1 =	vld [tilespmem:s28+$0xD0];
	_ =	sdelay $0x4  }
0x61: {  	v2 =	vand.u32 $0xFFFF, v1  }
0x62: {  	v1 =	vshrl.u32 v1, $0x10;
	[tilespmem:$0x50D0] =	vst v2  }
0x63: {  	[tilespmem:$0x51D0] =	vst v1  }
0x64: {  	v1 =	vld [tilespmem:s28+$0xE0];
	_ =	sdelay $0x4  }
0x65: {  	v2 =	vand.u32 $0xFFFF, v1  }
0x66: {  	v1 =	vshrl.u32 v1, $0x10;
	[tilespmem:$0x50E0] =	vst v2  }
0x67: {  	[tilespmem:$0x51E0] =	vst v1  }
0x68: {  	v1 =	vld [tilespmem:s28+$0xF0];
	_ =	sdelay $0x4  }
0x69: {  	v2 =	vand.u32 $0xFFFF, v1  }
0x6a: {  	v1 =	vshrl.u32 v1, $0x10;
	[tilespmem:$0x50F0] =	vst v2  }
0x6b: {  	[tilespmem:$0x51F0] =	vst v1  }
0x6c: {  	[tilespmem:s20], [sflag:$0x2] =	stream.indirect.gather [hbm4b:s6+s16], $0x40, s19, s16, $0xb8;
	[tilespmem:$0x15200] =	vst v63  }
0x6d: {  	_ =	swait.ge [sflag:s21], $0x2000  }
0x6e: {  	[sflag:s21] =	ssyncset.done $0x0  }
0x6f: {  	[sflag:s21] =	ssyncadd.s32 $0xFFFFE000  }
0x70: {  	[spmem:s2] =	stream.indirect.scatter.add.f32 [tilespmem:s18], [sflag:$0x3], $0x40, s22, s16, $0xb8;
	[tilespmem:$0x15200] =	vst v63  }
0x71: {  	_ =	swait.ge [sflag:s15], $0x2000  }
0x72: {  	[sflag:s15] =	ssyncset.done $0x0  }
0x73: {  	[sflag:s15] =	ssyncadd.s32 $0xFFFFE000  }
0x74: {  	v1 =	vld [tilespmem:s28+$0x100];
	_ =	sdelay $0x4  }
0x75: {  	v2 =	vand.u32 $0xFFFF, v1  }
0x76: {  	v1 =	vshrl.u32 v1, $0x10;
	[tilespmem:$0x5000] =	vst v2  }
0x77: {  	[tilespmem:$0x5100] =	vst v1  }
0x78: {  	v1 =	vld [tilespmem:s28+$0x110];
	_ =	sdelay $0x4  }
0x79: {  	v2 =	vand.u32 $0xFFFF, v1  }
0x7a: {  	v1 =	vshrl.u32 v1, $0x10;
	[tilespmem:$0x5010] =	vst v2  }
0x7b: {  	[tilespmem:$0x5110] =	vst v1  }
0x7c: {  	v1 =	vld [tilespmem:s28+$0x120];
	_ =	sdelay $0x4  }
0x7d: {  	v2 =	vand.u32 $0xFFFF, v1  }
0x7e: {  	v1 =	vshrl.u32 v1, $0x10;
	[tilespmem:$0x5020] =	vst v2  }
0x7f: {  	[tilespmem:$0x5120] =	vst v1  }
0x80: {  	v1 =	vld [tilespmem:s28+$0x130];
	_ =	sdelay $0x4  }
0x81: {  	v2 =	vand.u32 $0xFFFF, v1  }
0x82: {  	v1 =	vshrl.u32 v1, $0x10;
	[tilespmem:$0x5030] =	vst v2  }
0x83: {  	[tilespmem:$0x5130] =	vst v1  }
0x84: {  	v1 =	vld [tilespmem:s28+$0x140];
	_ =	sdelay $0x4  }
0x85: {  	v2 =	vand.u32 $0xFFFF, v1  }
0x86: {  	v1 =	vshrl.u32 v1, $0x10;
	[tilespmem:$0x5040] =	vst v2  }
0x87: {  	[tilespmem:$0x5140] =	vst v1  }
0x88: {  	v1 =	vld [tilespmem:s28+$0x150];
	_ =	sdelay $0x4  }
0x89: {  	v2 =	vand.u32 $0xFFFF, v1  }
0x8a: {  	v1 =	vshrl.u32 v1, $0x10;
	[tilespmem:$0x5050] =	vst v2  }
0x8b: {  	[tilespmem:$0x5150] =	vst v1  }
0x8c: {  	v1 =	vld [tilespmem:s28+$0x160];
	_ =	sdelay $0x4  }
0x8d: {  	v2 =	vand.u32 $0xFFFF, v1  }
0x8e: {  	s29 =	simm.s32 $0x400;
	v1 =	vshrl.u32 v1, $0x10;
	[tilespmem:$0x5060] =	vst v2  }
.LBB2_4:
0x8f: {  	p1 =	sne.s32 s29, $0x13800;
	[tilespmem:$0x5160] =	vst v1;
	s30 =	smov.u32 s29;
	s29 =	sadd.s32 $0x400, s29  }
0x90: {  	v1 =	vld [tilespmem:s28+$0x170];
	_ =	sdelay $0x4  }
0x91: {  	v2 =	vand.u32 $0xFFFF, v1;
	v1 =	vshrl.u32 v1, $0x10  }
0x92: {  	[tilespmem:$0x5070] =	vst v2  }
0x93: {  	[tilespmem:$0x5170] =	vst v1  }
0x94: {  	[tilespmem:s18], [sflag:$0x1] =	stream.indirect.gather [hbm4b:s6+s16], $0x40, s17, s16, $0xb8;
	[tilespmem:$0x15200] =	vst v63  }
0x95: {  	_ =	swait.ge [sflag:s23], $0x2000  }
0x96: {  	[sflag:s23] =	ssyncset.done $0x0  }
0x97: {  	[sflag:s23] =	ssyncadd.s32 $0xFFFFE000  }
0x98: {  	[spmem:s2] =	stream.indirect.scatter.add.f32 [tilespmem:s20], [sflag:$0x3], $0x40, s26, s16, $0xb8;
	[tilespmem:$0x15200] =	vst v63  }
0x99: {  	_ =	swait.ge [sflag:s15], $0x2000  }
0x9a: {  	[sflag:s15] =	ssyncset.done $0x0  }
0x9b: {  	s28 =	sshra.s32 s30, $0x2;
	[sflag:s15] =	ssyncadd.s32 $0xFFFFE000  }
0x9c: {  	v1 =	vld [tilespmem:s28+$0x80];
	_ =	sdelay $0x4  }
0x9d: {  	v2 =	vand.u32 $0xFFFF, v1;
	v1 =	vshrl.u32 v1, $0x10  }
0x9e: {  	[tilespmem:$0x5080] =	vst v2  }
0x9f: {  	[tilespmem:$0x5180] =	vst v1  }
0xa0: {  	v1 =	vld [tilespmem:s28+$0x90];
	_ =	sdelay $0x4  }
0xa1: {  	v2 =	vand.u32 $0xFFFF, v1;
	v1 =	vshrl.u32 v1, $0x10  }
0xa2: {  	[tilespmem:$0x5090] =	vst v2  }
0xa3: {  	[tilespmem:$0x5190] =	vst v1  }
0xa4: {  	v1 =	vld [tilespmem:s28+$0xA0];
	_ =	sdelay $0x4  }
0xa5: {  	v2 =	vand.u32 $0xFFFF, v1;
	v1 =	vshrl.u32 v1, $0x10  }
0xa6: {  	[tilespmem:$0x50A0] =	vst v2  }
0xa7: {  	[tilespmem:$0x51A0] =	vst v1  }
0xa8: {  	v1 =	vld [tilespmem:s28+$0xB0];
	_ =	sdelay $0x4  }
0xa9: {  	v2 =	vand.u32 $0xFFFF, v1;
	v1 =	vshrl.u32 v1, $0x10  }
0xaa: {  	[tilespmem:$0x50B0] =	vst v2  }
0xab: {  	[tilespmem:$0x51B0] =	vst v1  }
0xac: {  	v1 =	vld [tilespmem:s28+$0xC0];
	_ =	sdelay $0x4  }
0xad: {  	v2 =	vand.u32 $0xFFFF, v1;
	v1 =	vshrl.u32 v1, $0x10  }
0xae: {  	[tilespmem:$0x50C0] =	vst v2  }
0xaf: {  	[tilespmem:$0x51C0] =	vst v1  }
0xb0: {  	v1 =	vld [tilespmem:s28+$0xD0];
	_ =	sdelay $0x4  }
0xb1: {  	v2 =	vand.u32 $0xFFFF, v1;
	v1 =	vshrl.u32 v1, $0x10  }
0xb2: {  	[tilespmem:$0x50D0] =	vst v2  }
0xb3: {  	[tilespmem:$0x51D0] =	vst v1  }
0xb4: {  	v1 =	vld [tilespmem:s28+$0xE0];
	_ =	sdelay $0x4  }
0xb5: {  	v2 =	vand.u32 $0xFFFF, v1;
	v1 =	vshrl.u32 v1, $0x10  }
0xb6: {  	[tilespmem:$0x50E0] =	vst v2  }
0xb7: {  	[tilespmem:$0x51E0] =	vst v1  }
0xb8: {  	v1 =	vld [tilespmem:s28+$0xF0];
	_ =	sdelay $0x4  }
0xb9: {  	v2 =	vand.u32 $0xFFFF, v1;
	v1 =	vshrl.u32 v1, $0x10  }
0xba: {  	[tilespmem:$0x50F0] =	vst v2  }
0xbb: {  	[tilespmem:$0x51F0] =	vst v1  }
0xbc: {  	[tilespmem:s20], [sflag:$0x2] =	stream.indirect.gather [hbm4b:s6+s16], $0x40, s19, s16, $0xb8;
	[tilespmem:$0x15200] =	vst v63  }
0xbd: {  	_ =	swait.ge [sflag:s21], $0x2000  }
0xbe: {  	[sflag:s21] =	ssyncset.done $0x0  }
0xbf: {  	[sflag:s21] =	ssyncadd.s32 $0xFFFFE000  }
0xc0: {  	[spmem:s2] =	stream.indirect.scatter.add.f32 [tilespmem:s18], [sflag:$0x3], $0x40, s22, s16, $0xb8;
	[tilespmem:$0x15200] =	vst v63  }
0xc1: {  	_ =	swait.ge [sflag:s15], $0x2000  }
0xc2: {  	[sflag:s15] =	ssyncset.done $0x0  }
0xc3: {  	[sflag:s15] =	ssyncadd.s32 $0xFFFFE000  }
0xc4: {  	v1 =	vld [tilespmem:s28+$0x100];
	_ =	sdelay $0x4  }
0xc5: {  	v2 =	vand.u32 $0xFFFF, v1;
	v1 =	vshrl.u32 v1, $0x10  }
0xc6: {  	[tilespmem:$0x5000] =	vst v2  }
0xc7: {  	[tilespmem:$0x5100] =	vst v1  }
0xc8: {  	v1 =	vld [tilespmem:s28+$0x110];
	_ =	sdelay $0x4  }
0xc9: {  	v2 =	vand.u32 $0xFFFF, v1;
	v1 =	vshrl.u32 v1, $0x10  }
0xca: {  	[tilespmem:$0x5010] =	vst v2  }
0xcb: {  	[tilespmem:$0x5110] =	vst v1  }
0xcc: {  	v1 =	vld [tilespmem:s28+$0x120];
	_ =	sdelay $0x4  }
0xcd: {  	v2 =	vand.u32 $0xFFFF, v1;
	v1 =	vshrl.u32 v1, $0x10  }
0xce: {  	[tilespmem:$0x5020] =	vst v2  }
0xcf: {  	[tilespmem:$0x5120] =	vst v1  }
0xd0: {  	v1 =	vld [tilespmem:s28+$0x130];
	_ =	sdelay $0x4  }
0xd1: {  	v2 =	vand.u32 $0xFFFF, v1;
	v1 =	vshrl.u32 v1, $0x10  }
0xd2: {  	[tilespmem:$0x5030] =	vst v2  }
0xd3: {  	[tilespmem:$0x5130] =	vst v1  }
0xd4: {  	v1 =	vld [tilespmem:s28+$0x140];
	_ =	sdelay $0x4  }
0xd5: {  	v2 =	vand.u32 $0xFFFF, v1;
	v1 =	vshrl.u32 v1, $0x10  }
0xd6: {  	[tilespmem:$0x5040] =	vst v2  }
0xd7: {  	[tilespmem:$0x5140] =	vst v1  }
0xd8: {  	v1 =	vld [tilespmem:s28+$0x150];
	_ =	sdelay $0x4  }
0xd9: {  	v2 =	vand.u32 $0xFFFF, v1;
	v1 =	vshrl.u32 v1, $0x10  }
0xda: {  	[tilespmem:$0x5050] =	vst v2  }
0xdb: {  	[tilespmem:$0x5150] =	vst v1  }
0xdc: {  	v1 =	vld [tilespmem:s28+$0x160];
	_ =	sdelay $0x1  }
.Ltmp1:
0xdd: {  	(pc) =	sbr.rel @p1 .LBB2_4-.Ltmp1, $3  }
0xde: {  	_ =	sdelay $0x1  }
0xdf: {  	v2 =	vand.u32 $0xFFFF, v1;
	v1 =	vshrl.u32 v1, $0x10  }
0xe0: {  	[tilespmem:$0x5060] =	vst v2  }
0xe1: {  	[tilespmem:$0x5160] =	vst v1  }
0xe2: {  	v1 =	vld [tilespmem:s28+$0x170];
	_ =	sdelay $0x4  }
0xe3: {  	v2 =	vand.u32 $0xFFFF, v1  }
0xe4: {  	v1 =	vshrl.u32 v1, $0x10;
	[tilespmem:$0x5070] =	vst v2  }
0xe5: {  	[tilespmem:$0x5170] =	vst v1  }
0xe6: {  	[tilespmem:s18], [sflag:$0x1] =	stream.indirect.gather [hbm4b:s6+s16], $0x40, s17, s16, $0xb8;
	[tilespmem:$0x15200] =	vst v63  }
0xe7: {  	_ =	swait.ge [sflag:s23], $0x2000  }
0xe8: {  	[sflag:s23] =	ssyncset.done $0x0  }
0xe9: {  	[sflag:s23] =	ssyncadd.s32 $0xFFFFE000  }
0xea: {  	[spmem:s2] =	stream.indirect.scatter.add.f32 [tilespmem:s20], [sflag:$0x3], $0x40, s26, s16, $0xb8;
	[tilespmem:$0x15200] =	vst v63  }
0xeb: {  	_ =	swait.ge [sflag:s15], $0x2000  }
0xec: {  	[sflag:s15] =	ssyncset.done $0x0  }
0xed: {  	[sflag:s15] =	ssyncadd.s32 $0xFFFFE000  }
0xee: {  	_ =	swait.ge [sflag:s21], $0x2000  }
0xef: {  	[sflag:s21] =	ssyncset.done $0x0  }
0xf0: {  	[sflag:s21] =	ssyncadd.s32 $0xFFFFE000  }
0xf1: {  	s28 =	simm.s32 @p0 $0x1FC3;
	[bflag:$0x0] =	sbarrier.arrive $0xFFFF  }
0xf2: {  	[hbm:s8], [sflag:s28] =	dma.local @p0 [spmem:s24], $0xC80  }
0xf3: {  	s28 =	simm.s32 @p0 $0x3  }
0xf4: {  	_ =	swait.ge @p0 [sflag:s28], $0xC80  }
0xf5: {  	s29 =	sshll.u32 @!p0 s1, $0x6;
	s3 =	sadd.s32 $0x1, s3;
	[sflag:s28] =	ssyncset.done @p0 $0x0  }
0xf6: {  	p1 =	sne.s32 s3, s9;
	[sflag:s28] =	ssyncadd.s32 @p0 $0xFFFFF380;
	s28 =	sor.u32 @!p0 $0x1C03, s29  }
0xf7: {  	[hbm:s7], [sflag:s28] =	dma.local @!p0 [spmem:s25], $0x1400  }
.Ltmp2:
0xf8: {  	_ = 	snop;
	(pc) =	sbr.rel @p1 .LBB2_1-.Ltmp2, $4  }
0xf9: {  	s28 =	simm.s32 @!p0 $0x3  }
0xfa: {  	_ =	swait.ge @!p0 [sflag:s28], $0x1400  }
0xfb: {  	[sflag:s28] =	ssyncset.done @!p0 $0x0  }
0xfc: {  	[sflag:s28] =	ssyncadd.s32 @!p0 $0xFFFFEC00  }
0xfd: {  	_ =	sfence.sel $0x180000  }
0xfe: {  	[bflag:$0x0] =	sbarrier.arrive $0xFFFF  }
0xff: {  	p0 =	sne.s32 s1, $0x0;
	_ =	strace $0x90000047  }
0x100: {  	s0 =	sadd.s32 @!p0 $0x100000, s0;
	[bflag:$0x2] =	sbarrier.arrive $0xFFFF  }
0x101: {  	[sflag:s0] =	ssyncadd.tile.s32 @!p0 $0x1;
	_ =	shalt  }
.Lfunc_end2:
_tile_overlayer_lowered:
.L_overlay_start_2:
0x102: {  	(tag) =	ssettag $0x2  }
0x103: {  	s0 =	rddreg [dreg:$0x0];
	s2 =	stileid.u32  }
0x104: {  	s1 =	rddreg [dreg:$0x1];
	p0 =	sne.s32 s2, $0x0  }
0x105: {  	s3 =	rddreg [dreg:$0x2];
	[bflag:$0x3] =	sbarrier.arrive $0xFFFF;
	s2 =	simm.s32 @!p0 $0x1C03  }
0x106: {  	[timem:s3], [sflag:s2] =	dma.local @!p0 [hbm:s0], s1  }
0x107: {  	s0 =	simm.s32 @!p0 $0x3  }
0x108: {  	_ =	swait.ge @!p0 [sflag:s0], s1  }
0x109: {  	s1 =	ssub.s32 @!p0 $0x0, s1;
	[sflag:s0] =	ssyncset.done @!p0 $0x0  }
0x10a: {  	[sflag:s0] =	ssyncadd.s32 @!p0 s1  }
0x10b: {  	[bflag:$0x3] =	sbarrier.arrive $0xFFFF  }
0x10c: {  	_ =	shalt  }

// kernel: kernel.13.cloned.1.call-start
scs
__scs_entry_jumppad:
0x0: {  	(pc) =	sbr.rel $0x88, $3  }
0x1: {  	(tag) =	ssettag $0x0;
	lr =	simm.s32 $0x1  }
0x2: {  	[smem:$0x3F99] =	sst lr;
	_ =	strace $0xD0000000  }
0x3: {  	_ = 	snop  }
0x4: {  	_ = 	snop  }
0x5: {  	_ = 	snop  }
0x6: {  	_ = 	snop  }
0x7: {  	_ = 	snop  }
__scs_overlays_trampoline_lowered:
0x8: {  	[smem:$0x3FA8] =	sst s0  }
0x9: {  	[smem:$0x3FA9] =	sst s1  }
0xa: {  	[smem:$0x3FAA] =	sst s2  }
0xb: {  	[smem:$0x3FAB] =	sst s3  }
0xc: {  	[smem:$0x3FAC] =	sst s4  }
0xd: {  	[smem:$0x3FAD] =	sst s5  }
0xe: {  	[smem:$0x3FAE] =	sst s6  }
0xf: {  	[smem:$0x3FAF] =	sst s7  }
0x10: {  	[smem:$0x3FB0] =	sst s8  }
0x11: {  	[smem:$0x3FB1] =	sst s9;
	s0 =	simm.s32 @!p0 $0x0  }
0x12: {  	s1 =	sld [smem:$0x3F97];
	s0 =	simm.s32 @p0 $0x1  }
0x13: {  	[smem:$0x3FB2] =	sst s0;
	s0 =	simm.s32 @!p1 $0x0  }
0x14: {  	s2 =	sld [smem:$0x3F96];
	s0 =	simm.s32 @p1 $0x1  }
0x15: {  	[smem:$0x3FB3] =	sst s0;
	s0 =	simm.s32 @!p2 $0x0  }
0x16: {  	s3 =	sld [smem:$0x3FDB];
	s0 =	simm.s32 @p2 $0x1  }
0x17: {  	s4 =	simm.s32 $0x1BF5;
	[smem:$0x3FB5] =	sst s0  }
0x18: {  	s0 =	sld [smem:$0x3F98];
	_ =	swait.ge [sflag:s4], $0x0  }
0x19: {  	s7 =	sld [smem:$0x3F99]  }
0x1a: {  	s8 =	sadd.s32 $0xFFFFE003, lr  }
0x1b: {  	s9 =	sadd.s32 $0xFFFFFEF7, lr;
	s5 =	simm.s32 $0xFFFFFFFF;
	p2 =	slt.u32 s8, $0xFFFFF086  }
0x1c: {  	p1 =	slt.u32 s9, $0xF7A;
	s5 =	simm.s32 @!p2 $0x0  }
0x1d: {  	s5 =	simm.s32 @p1 $0x1;
	p0 =	seq.s32 s7, s2  }
0x1e: {  	s7 =	smul.u32 @!p0 $0xF7A, s2;
	p2 =	seq.s32 @!p0 s5, $0x0  }
0x1f: {  	s9 =	smul.u32 $0xF7A, s1;
	s8 =	simm.s32 @!p0 $0x1BF5;
	p2 =	por !p2, p0  }
0x20: {  	[sflag:s8] =	ssyncset.s32 @!p0 $0xFFFFF086;
	s6 =	sadd.s32 @!p0 s3, s7;
	s7 =	simm.s32 @!p0 $0x108  }
0x21: {  	s3 =	sadd.s32 s3, s9;
	s6 =	sadd.s32 @!p0 $0x88, s6;
	s7 =	simm.s32 @p2 $0x1082  }
0x22: {  	[simem:s7], [sflag:s8] =	dma.local @!p0 [hbm:s6], $0xF7A  }
0x23: {  	s9 =	sor.u32 $0xD0000000, s2;
	s6 =	simm.s32 $0x108;
	_ =	swait.ge @!p0 [sflag:s8], $0x0  }
0x24: {  	s3 =	sadd.s32 $0x88, s3;
	s6 =	simm.s32 @!p1 $0x1082;
	[sflag:s4] =	ssyncset.s32 $0xFFFFF086  }
0x25: {  	[simem:s6], [sflag:s4] =	dma.local [hbm:s3], $0xF7A  }
0x26: {  	[smem:$0x3F99] =	sst s1;
	(tag) =	ssettag s2;
	_ =	strace s9  }
0x27: {  	s1 =	sld [smem:$0x3FA9]  }
0x28: {  	s2 =	sld [smem:$0x3FAA]  }
0x29: {  	s4 =	sld [smem:$0x3FAC]  }
0x2a: {  	p0 =	seq.s32 s5, $0x0;
	s5 =	sld [smem:$0x3FAD]  }
0x2b: {  	s6 =	sld [smem:$0x3FAE]  }
0x2c: {  	s7 =	sld [smem:$0x3FAF]  }
0x2d: {  	s3 =	simm.s32 $0x108;
	s8 =	sld [smem:$0x3FB0]  }
0x2e: {  	s3 =	simm.s32 @!p0 $0x1082;
	s9 =	sld [smem:$0x3FB1]  }
0x2f: {  	lr =	sadd.s32 s0, s3;
	s0 =	sld [smem:$0x3FA8]  }
0x30: {  	s3 =	sld [smem:$0x3FAB]  }
0x31: {  	[smem:$0x3FB4] =	sst s10  }
0x32: {  	s10 =	sld [smem:$0x3FB2];
	_ =	sdelay $0x3  }
0x33: {  	p0 =	seq.s32 s10, $0x1;
	s10 =	sld [smem:$0x3FB4];
	_ =	sdelay $0x3  }
0x34: {  	[smem:$0x3FB4] =	sst s10  }
0x35: {  	s10 =	sld [smem:$0x3FB3];
	_ =	sdelay $0x3  }
0x36: {  	p1 =	seq.s32 s10, $0x1;
	s10 =	sld [smem:$0x3FB4];
	_ =	sdelay $0x3  }
0x37: {  	[smem:$0x3FB4] =	sst s10  }
0x38: {  	s10 =	sld [smem:$0x3FB5]  }
0x39: {  	_ = 	snop;
	(pc) =	sbr.ind lr, $3  }
0x3a: {  	_ = 	snop  }
0x3b: {  	_ = 	snop  }
0x3c: {  	p2 =	seq.s32 s10, $0x1;
	s10 =	sld [smem:$0x3FB4]  }
0x3d: {  	_ =	shalt  }
0x3e: {  	_ =	shalt  }
0x3f: {  	_ =	shalt  }
0x40: {  	_ =	shalt  }
0x41: {  	_ =	shalt  }
0x42: {  	_ =	shalt  }
0x43: {  	_ =	shalt  }
0x44: {  	_ =	shalt  }
0x45: {  	_ =	shalt  }
0x46: {  	_ =	shalt  }
0x47: {  	_ =	shalt  }
0x48: {  	_ =	shalt  }
0x49: {  	_ =	shalt  }
0x4a: {  	_ =	shalt  }
0x4b: {  	_ =	shalt  }
0x4c: {  	_ =	shalt  }
0x4d: {  	_ =	shalt  }
0x4e: {  	_ =	shalt  }
0x4f: {  	_ =	shalt  }
0x50: {  	_ =	shalt  }
0x51: {  	_ =	shalt  }
0x52: {  	_ =	shalt  }
0x53: {  	_ =	shalt  }
0x54: {  	_ =	shalt  }
0x55: {  	_ =	shalt  }
0x56: {  	_ =	shalt  }
0x57: {  	_ =	shalt  }
0x58: {  	_ =	shalt  }
0x59: {  	_ =	shalt  }
0x5a: {  	_ =	shalt  }
0x5b: {  	_ =	shalt  }
0x5c: {  	_ =	shalt  }
0x5d: {  	_ =	shalt  }
0x5e: {  	_ =	shalt  }
0x5f: {  	_ =	shalt  }
0x60: {  	_ =	shalt  }
0x61: {  	_ =	shalt  }
0x62: {  	_ =	shalt  }
0x63: {  	_ =	shalt  }
0x64: {  	_ =	shalt  }
0x65: {  	_ =	shalt  }
0x66: {  	_ =	shalt  }
0x67: {  	_ =	shalt  }
0x68: {  	_ =	shalt  }
0x69: {  	_ =	shalt  }
0x6a: {  	_ =	shalt  }
0x6b: {  	_ =	shalt  }
0x6c: {  	_ =	shalt  }
0x6d: {  	_ =	shalt  }
0x6e: {  	_ =	shalt  }
0x6f: {  	_ =	shalt  }
0x70: {  	_ =	shalt  }
0x71: {  	_ =	shalt  }
0x72: {  	_ =	shalt  }
0x73: {  	_ =	shalt  }
0x74: {  	_ =	shalt  }
0x75: {  	_ =	shalt  }
0x76: {  	_ =	shalt  }
0x77: {  	_ =	shalt  }
0x78: {  	_ =	shalt  }
0x79: {  	_ =	shalt  }
0x7a: {  	_ =	shalt  }
0x7b: {  	_ =	shalt  }
0x7c: {  	_ =	shalt  }
0x7d: {  	_ =	shalt  }
0x7e: {  	_ =	shalt  }
0x7f: {  	_ =	shalt  }
0x80: {  	_ =	shalt  }
0x81: {  	_ =	shalt  }
0x82: {  	_ =	shalt  }
0x83: {  	_ =	shalt  }
0x84: {  	_ =	shalt  }
0x85: {  	_ =	shalt  }
0x86: {  	_ =	shalt  }
0x87: {  	_ =	shalt  }
.Lfunc_end0:
.L_simem_size_0:
called_computation.2_lowered:
.L_overlay_start_0:
0x88: {  	s2 =	sld [smem:$0x3FD9]  }
0x89: {  	s3 =	sld [smem:$0x3FFE];
	_ =	sdelay $0x1  }
0x8a: {  	s1 =	srdreg.scid  }
0x8b: {  	s0 =	sand.u32 $0x1, s1  }
0x8c: {  	s17 =	sshll.u32 s0, $0xA;
	s2 =	sadd.s32 s3, s2  }
0x8d: {  	s2 =	sadd.s32 s2, s17  }
0x8e: {  	[smem:$0x3FC0] =	sst s2  }
0x8f: {  	_ = 	snop  }
0x90: {  	s2 =	sld [smem:$0x3FD0];
	(tm) =	ssettm $0x1  }
0x91: {  	s18 =	sld [smem:$0x3FFB];
	_ =	sdelay $0x3  }
0x92: {  	_ =	strace s18  }
0x93: {  	s3 =	sld [smem:$0x3FFC];
	_ =	sdelay $0x3  }
0x94: {  	_ =	strace s3  }
0x95: {  	s3 =	sld [smem:$0x3FFD];
	_ =	sdelay $0x3  }
0x96: {  	_ =	strace s3  }
0x97: {  	_ =	strace $0x8FFFFFFF  }
0x98: {  	s19 =	sld [smem:$0x3FDB];
	_ =	sdelay $0x1  }
0x99: {  	s4 =	simm.s32 $_scs_section_size  }
0x9a: {  	s5 =	simm.s32 $_size__tile_overlayer_lowered;
	s6 =	simm.s32 $_tile_overlayer_lowered  }
0x9b: {  	s22 =	simm.s32 $0x1BFF;
	s21 =	sshll.u32 s6, $0x1;
	s3 =	sadd.s32 s4, s19  }
0x9c: {  	s7 =	simm.s32 $0x0;
	s20 =	sshll.u32 s5, $0x1;
	s5 =	sadd.s32 s21, s3  }
0x9d: {  	[timem:s7], [sflag:s22] =	dma.local [hbm:s5], s20  }
0x9e: {  	_ =	swait.ge [sflag:s22], s20  }
0x9f: {  	s4 =	ssub.s32 $0x0, s20;
	[sflag:s22] =	ssyncset.done $0x0  }
0xa0: {  	[sflag:s22] =	ssyncadd.s32 s4;
	_ =	sdelay $0x1  }
0xa1: {  	s23 =	simm.s32 $0x1B8B  }
0xa2: {  	_ =	swait.ge [sflag:s23], $0x1  }
0xa3: {  	[sflag:s23] =	ssyncset.done $0x0  }
0xa4: {  	s25 =	simm.s32 $0x1B8E;
	s24 =	sld [smem:$0x3FFE];
	[sflag:s23] =	ssyncadd.s32 $0xFFFFFFFF  }
0xa5: {  	s26 =	simm.s32 $execute0_lowered;
	[smem:$0x3FD2] =	sst s25  }
0xa6: {  	s5 =	sshll.u32 s26, $0x1;
	_ =	strace $0x8000004C;
	[dreg:$0x1] =	wrdreg $0xFFFFFFFF  }
0xa7: {  	s28 =	simm.s32 $_size_execute0_lowered;
	s3 =	sadd.s32 s3, s5;
	[dreg:$0x0] =	wrdreg $0x0  }
0xa8: {  	s5 =	sshll.u32 s28, $0x1;
	[dreg:$0x2] =	wrdreg s3  }
0xa9: {  	[dreg:$0x3] =	wrdreg s5  }
0xaa: {  	[dreg:$0x4] =	wrdreg $0xC0  }
0xab: {  	_ =	task [dreg:s7], $0x5FFFF  }
0xac: {  	[dreg:$0x1] =	wrdreg $0xFFFFFFFF  }
0xad: {  	[dreg:$0x0] =	wrdreg $0x60  }
0xae: {  	[dreg:$0x2] =	wrdreg s2  }
0xaf: {  	[dreg:$0x3] =	wrdreg s24  }
0xb0: {  	[dreg:$0x4] =	wrdreg $0xB2000  }
0xb1: {  	[dreg:$0x5] =	wrdreg $0x9  }
0xb2: {  	_ =	task.clear_ibuf [dreg:s7], $0x6FFFF;
	_ =	strace $0x9000004C  }
0xb3: {  	s29 =	simm.s32 $0x9;
	_ =	strace $0x8000004E  }
0xb4: {  	_ =	swait.ge [sflag:s29], $0x1  }
0xb5: {  	[sflag:s29] =	ssyncadd.s32 $0xFFFFFFFF  }
0xb6: {  	_ =	strace $0x9000004E  }
0xb7: {  	_ =	sfence  }
0xb8: {  	s30 =	sld [smem:$0x0];
	_ =	sdelay $0x2  }
0xb9: {  	s31 =	sshll.u32 s1, $0xD;
	s1 =	sshrl.u32 s1, $0x2  }
0xba: {  	s3 =	sand.u32 $0x4000, s31;
	s1 =	sadd.s32 s1, s30  }
0xbb: {  	s0 =	sor.u32 s3, s0;
	s1 =	sshll.u32 s1, $0x11  }
0xbc: {  	s0 =	sor.u32 s1, s0  }
0xbd: {  	s0 =	sadd.s32 $0x8F2B, s0  }
0xbe: {  	[sflag:s0] =	ssyncadd.remote.s32 $0x1  }
0xbf: {  	_ =	sfence.sel $0xFFFF  }
0xc0: {  	[dreg:$0x0] =	wrdreg $0xFFFFFFFF;
	(pc) =	sbr.abs _section_cstart, $3  }
0xc1: {  	[dreg:$0x1] =	wrdreg $0xFFFFFFFF  }
0xc2: {  	_ =	task.clear_ibuf [dreg:s7], $0x2FFFF;
	_ =	strace $0x9FFFFFFF  }
0xc3: {  	(tm) =	ssettm $0x7FFFFFFF  }
tec
execute0_lowered:
.L_overlay_start_1:
0x0: {  	(tag) =	ssettag $0x1  }
0x1: {  	s6 =	rddreg [dreg:$0x0]  }
0x2: {  	s4 =	rddreg [dreg:$0x1]  }
0x3: {  	s2 =	rddreg [dreg:$0x2]  }
0x4: {  	s0 =	rddreg [dreg:$0x3];
	s1 =	stileid.u32  }
0x5: {  	s3 =	simm.s32 $0x0;
	s7 =	srdreg.scid;
	s14 =	simm.s32 $0x9200  }
0x6: {  	s15 =	simm.s32 $0x3;
	s16 =	simm.s32 $0x80;
	s17 =	simm.s32 $0x5000  }
0x7: {  	s18 =	simm.s32 $0x5200;
	s19 =	simm.s32 $0x5080;
	s20 =	simm.s32 $0x7200  }
0x8: {  	s21 =	simm.s32 $0x1;
	s22 =	simm.s32 $0x5100;
	s5 =	smul.u32 $0xA00, s1  }
0x9: {  	s23 =	simm.s32 $0x2;
	s26 =	simm.s32 $0x5180;
	s8 =	smul.u32 $0x28000, s1  }
0xa: {  	[smem:$0x7FF] =	sst s3;
	s7 =	sand.u32 $0x1, s7;
	s11 =	smul.u32 $0xA000, s1  }
0xb: {  	s12 =	sadd.s32 $0x5AA00, s4;
	s24 =	sadd.s32 $0x96000, s2;
	p0 =	seq.s32 s1, $0xF  }
0xc: {  	_ =	strace $0x8000004D;
	s9 =	ssub.s32 $0x2, s7;
	s7 =	smul.u32 $0x9C400, s7  }
0xd: {  	s24 =	sshrl.u32 @p0 s24, $0x3;
	s5 =	sadd.s32 s5, s4;
	s10 =	sshrl.u32 s9, $0x1  }
0xe: {  	s30 =	sshrl.u32 s8, $0x2;
	s25 =	sadd.s32 s11, s2;
	s9 =	ssub.s32 s9, s10  }
0xf: {  	s4 =	sadd.s32 s30, s2;
	s31 =	sshrl.u32 s7, $0x3;
	s7 =	sadd.s32 s11, s7  }
0x10: {  	s5 =	sadd.s32 $0x50A00, s5;
	s25 =	sshrl.u32 @!p0 s25, $0x3;
	s6 =	sadd.s32 s6, s31  }
0x11: {  	s7 =	sshrl.u32 s7, $0x3;
	s8 =	sadd.s32 s12, s31;
	s9 =	smax.u32 s9, $0x1  }
0x12: {  	s10 =	sadd.s32 $0x2000, s4;
	s11 =	sadd.s32 $0x4000, s4;
	s13 =	sadd.s32 $0x8000, s4  }
0x13: {  	v0 =	vimm.f32 $0.0e+00;
	s7 =	sadd.s32 s12, s7;
	s8 =	sadd.s32 $0x12C00, s8;
	s12 =	sadd.s32 $0x6000, s4  }
.LBB2_1:
0x14: {  	s29 =	simm.s32 $0x100;
	s28 =	simm.s32 $0x0  }
.LBB2_2:
0x15: {  	p1 =	sne.s32 s29, $0x7F00;
	[tilespmem:s28+$0x9230] =	vst v0;
	s30 =	smov.u32 s29;
	s29 =	sadd.s32 $0x100, s29  }
.Ltmp0:
0x16: {  	[tilespmem:s28+$0x9220] =	vst v0;
	(pc) =	sbr.rel @p1 .LBB2_2-.Ltmp0, $3  }
0x17: {  	[tilespmem:s28+$0x9200] =	vst v0  }
0x18: {  	[tilespmem:s28+$0x9210] =	vst v0;
	_ =	sdelay $0x1  }
0x19: {  	s28 =	sshra.s32 s30, $0x2  }
0x1a: {  	[tilespmem:s28+$0x9230] =	vst v0  }
0x1b: {  	[tilespmem:s28+$0x9220] =	vst v0  }
0x1c: {  	[tilespmem:s28+$0x9200] =	vst v0  }
0x1d: {  	[tilespmem:s28+$0x9210] =	vst v0  }
0x1e: {  	[spmem:s4] =	stream.linear.scatter [tilespmem:s14], [sflag:$0x3], $0x2000, $0x38;
	[tilespmem:$0x15200] =	vst v63  }
0x1f: {  	_ =	swait.ge [sflag:s15], $0x2000  }
0x20: {  	[sflag:s15] =	ssyncset.done $0x0  }
0x21: {  	[sflag:s15] =	ssyncadd.s32 $0xFFFFE000  }
0x22: {  	[spmem:s10] =	stream.linear.scatter [tilespmem:s14], [sflag:$0x3], $0x2000, $0x38;
	[tilespmem:$0x15200] =	vst v63  }
0x23: {  	_ =	swait.ge [sflag:s15], $0x2000  }
0x24: {  	[sflag:s15] =	ssyncset.done $0x0  }
0x25: {  	[sflag:s15] =	ssyncadd.s32 $0xFFFFE000  }
0x26: {  	[spmem:s11] =	stream.linear.scatter [tilespmem:s14], [sflag:$0x3], $0x2000, $0x38;
	[tilespmem:$0x15200] =	vst v63  }
0x27: {  	_ =	swait.ge [sflag:s15], $0x2000  }
0x28: {  	[sflag:s15] =	ssyncset.done $0x0  }
0x29: {  	[sflag:s15] =	ssyncadd.s32 $0xFFFFE000  }
0x2a: {  	[spmem:s12] =	stream.linear.scatter [tilespmem:s14], [sflag:$0x3], $0x2000, $0x38;
	[tilespmem:$0x15200] =	vst v63  }
0x2b: {  	_ =	swait.ge [sflag:s15], $0x2000  }
0x2c: {  	[sflag:s15] =	ssyncset.done $0x0  }
0x2d: {  	[sflag:s15] =	ssyncadd.s32 $0xFFFFE000  }
0x2e: {  	[spmem:s13] =	stream.linear.scatter [tilespmem:s14], [sflag:$0x3], $0x2000, $0x38;
	[tilespmem:$0x15200] =	vst v63  }
0x2f: {  	_ =	swait.ge [sflag:s15], $0x2000  }
0x30: {  	[sflag:s15] =	ssyncset.done $0x0  }
0x31: {  	s28 =	simm.s32 $0x0;
	[sflag:s15] =	ssyncadd.s32 $0xFFFFE000  }
0x32: {  	[tilespmem:s28], [sflag:$0x3] =	stream.linear.gather [hbm4b:s5+s28], $0x5000, $0x38;
	[tilespmem:$0x15200] =	vst v63  }
0x33: {  	_ =	swait.ge [sflag:s15], $0x5000  }
0x34: {  	[sflag:s15] =	ssyncset.done $0x0  }
0x35: {  	[sflag:s15] =	ssyncadd.s32 $0xFFFFB000  }
0x36: {  	[bflag:$0x0] =	sbarrier.arrive $0xFFFF  }
0x37: {  	v1 =	vld [tilespmem:$0x0];
	_ =	sdelay $0x1  }
0x38: {  	v2 =	vld [tilespmem:$0x10];
	_ =	sdelay $0x1  }
0x39: {  	v3 =	vld [tilespmem:$0x20]  }
0x3a: {  	v4 =	vand.u32 $0xFFFF, v1  }
0x3b: {  	v62 =	vld [tilespmem:$0x30];
	v1 =	vshrl.u32 v1, $0x10;
	[tilespmem:$0x5000] =	vst v4  }
0x3c: {  	[tilespmem:$0x5100] =	vst v1;
	v1 =	vand.u32 $0xFFFF, v2  }
0x3d: {  	[tilespmem:$0x5010] =	vst v1;
	v1 =	vshrl.u32 v2, $0x10;
	v2 =	vld [tilespmem:$0x40]  }
0x3e: {  	[tilespmem:$0x5110] =	vst v1;
	v1 =	vand.u32 $0xFFFF, v3  }
0x3f: {  	[tilespmem:$0x5020] =	vst v1;
	v1 =	vshrl.u32 v3, $0x10;
	v3 =	vld [tilespmem:$0x50]  }
0x40: {  	[tilespmem:$0x5120] =	vst v1;
	v1 =	vand.u32 $0xFFFF, v62  }
0x41: {  	v63 =	vld [tilespmem:$0x60];
	[tilespmem:$0x5030] =	vst v1;
	v1 =	vshrl.u32 v62, $0x10  }
0x42: {  	[tilespmem:$0x5130] =	vst v1;
	v1 =	vand.u32 $0xFFFF, v2  }
0x43: {  	[tilespmem:$0x5040] =	vst v1;
	v1 =	vshrl.u32 v2, $0x10;
	v2 =	vld [tilespmem:$0x70]  }
0x44: {  	[tilespmem:$0x5140] =	vst v1;
	v1 =	vand.u32 $0xFFFF, v3  }
0x45: {  	[tilespmem:$0x5050] =	vst v1;
	v1 =	vshrl.u32 v3, $0x10  }
0x46: {  	[tilespmem:$0x5150] =	vst v1;
	v1 =	vand.u32 $0xFFFF, v63  }
0x47: {  	[tilespmem:$0x5060] =	vst v1;
	v1 =	vshrl.u32 v63, $0x10  }
0x48: {  	[tilespmem:$0x5160] =	vst v1;
	v1 =	vand.u32 $0xFFFF, v2  }
0x49: {  	[tilespmem:$0x5070] =	vst v1;
	v1 =	vshrl.u32 v2, $0x10  }
0x4a: {  	s28 =	simm.s32 $0x0;
	[tilespmem:$0x5170] =	vst v1  }
0x4b: {  	[tilespmem:s18], [sflag:$0x1] =	stream.indirect.gather [hbm4b:s6+s16], $0x40, s17, s16, $0xb8;
	[tilespmem:$0x15200] =	vst v63  }
0x4c: {  	v1 =	vld [tilespmem:s28+$0x80];
	_ =	sdelay $0x4  }
0x4d: {  	v2 =	vand.u32 $0xFFFF, v1  }
0x4e: {  	v1 =	vshrl.u32 v1, $0x10;
	[tilespmem:$0x5080] =	vst v2  }
0x4f: {  	[tilespmem:$0x5180] =	vst v1  }
0x50: {  	v1 =	vld [tilespmem:s28+$0x90];
	_ =	sdelay $0x4  }
0x51: {  	v2 =	vand.u32 $0xFFFF, v1  }
0x52: {  	v1 =	vshrl.u32 v1, $0x10;
	[tilespmem:$0x5090] =	vst v2  }
0x53: {  	[tilespmem:$0x5190] =	vst v1  }
0x54: {  	v1 =	vld [tilespmem:s28+$0xA0];
	_ =	sdelay $0x4  }
0x55: {  	v2 =	vand.u32 $0xFFFF, v1  }
0x56: {  	v1 =	vshrl.u32 v1, $0x10;
	[tilespmem:$0x50A0] =	vst v2  }
0x57: {  	[tilespmem:$0x51A0] =	vst v1  }
0x58: {  	v1 =	vld [tilespmem:s28+$0xB0];
	_ =	sdelay $0x4  }
0x59: {  	v2 =	vand.u32 $0xFFFF, v1  }
0x5a: {  	v1 =	vshrl.u32 v1, $0x10;
	[tilespmem:$0x50B0] =	vst v2  }
0x5b: {  	[tilespmem:$0x51B0] =	vst v1  }
0x5c: {  	v1 =	vld [tilespmem:s28+$0xC0];
	_ =	sdelay $0x4  }
0x5d: {  	v2 =	vand.u32 $0xFFFF, v1  }
0x5e: {  	v1 =	vshrl.u32 v1, $0x10;
	[tilespmem:$0x50C0] =	vst v2  }
0x5f: {  	[tilespmem:$0x51C0] =	vst v1  }
0x60: {  	v1 =	vld [tilespmem:s28+$0xD0];
	_ =	sdelay $0x4  }
0x61: {  	v2 =	vand.u32 $0xFFFF, v1  }
0x62: {  	v1 =	vshrl.u32 v1, $0x10;
	[tilespmem:$0x50D0] =	vst v2  }
0x63: {  	[tilespmem:$0x51D0] =	vst v1  }
0x64: {  	v1 =	vld [tilespmem:s28+$0xE0];
	_ =	sdelay $0x4  }
0x65: {  	v2 =	vand.u32 $0xFFFF, v1  }
0x66: {  	v1 =	vshrl.u32 v1, $0x10;
	[tilespmem:$0x50E0] =	vst v2  }
0x67: {  	[tilespmem:$0x51E0] =	vst v1  }
0x68: {  	v1 =	vld [tilespmem:s28+$0xF0];
	_ =	sdelay $0x4  }
0x69: {  	v2 =	vand.u32 $0xFFFF, v1  }
0x6a: {  	v1 =	vshrl.u32 v1, $0x10;
	[tilespmem:$0x50F0] =	vst v2  }
0x6b: {  	[tilespmem:$0x51F0] =	vst v1  }
0x6c: {  	[tilespmem:s20], [sflag:$0x2] =	stream.indirect.gather [hbm4b:s6+s16], $0x40, s19, s16, $0xb8;
	[tilespmem:$0x15200] =	vst v63  }
0x6d: {  	_ =	swait.ge [sflag:s21], $0x2000  }
0x6e: {  	[sflag:s21] =	ssyncset.done $0x0  }
0x6f: {  	[sflag:s21] =	ssyncadd.s32 $0xFFFFE000  }
0x70: {  	[spmem:s2] =	stream.indirect.scatter.add.f32 [tilespmem:s18], [sflag:$0x3], $0x40, s22, s16, $0xb8;
	[tilespmem:$0x15200] =	vst v63  }
0x71: {  	_ =	swait.ge [sflag:s15], $0x2000  }
0x72: {  	[sflag:s15] =	ssyncset.done $0x0  }
0x73: {  	[sflag:s15] =	ssyncadd.s32 $0xFFFFE000  }
0x74: {  	v1 =	vld [tilespmem:s28+$0x100];
	_ =	sdelay $0x4  }
0x75: {  	v2 =	vand.u32 $0xFFFF, v1  }
0x76: {  	v1 =	vshrl.u32 v1, $0x10;
	[tilespmem:$0x5000] =	vst v2  }
0x77: {  	[tilespmem:$0x5100] =	vst v1  }
0x78: {  	v1 =	vld [tilespmem:s28+$0x110];
	_ =	sdelay $0x4  }
0x79: {  	v2 =	vand.u32 $0xFFFF, v1  }
0x7a: {  	v1 =	vshrl.u32 v1, $0x10;
	[tilespmem:$0x5010] =	vst v2  }
0x7b: {  	[tilespmem:$0x5110] =	vst v1  }
0x7c: {  	v1 =	vld [tilespmem:s28+$0x120];
	_ =	sdelay $0x4  }
0x7d: {  	v2 =	vand.u32 $0xFFFF, v1  }
0x7e: {  	v1 =	vshrl.u32 v1, $0x10;
	[tilespmem:$0x5020] =	vst v2  }
0x7f: {  	[tilespmem:$0x5120] =	vst v1  }
0x80: {  	v1 =	vld [tilespmem:s28+$0x130];
	_ =	sdelay $0x4  }
0x81: {  	v2 =	vand.u32 $0xFFFF, v1  }
0x82: {  	v1 =	vshrl.u32 v1, $0x10;
	[tilespmem:$0x5030] =	vst v2  }
0x83: {  	[tilespmem:$0x5130] =	vst v1  }
0x84: {  	v1 =	vld [tilespmem:s28+$0x140];
	_ =	sdelay $0x4  }
0x85: {  	v2 =	vand.u32 $0xFFFF, v1  }
0x86: {  	v1 =	vshrl.u32 v1, $0x10;
	[tilespmem:$0x5040] =	vst v2  }
0x87: {  	[tilespmem:$0x5140] =	vst v1  }
0x88: {  	v1 =	vld [tilespmem:s28+$0x150];
	_ =	sdelay $0x4  }
0x89: {  	v2 =	vand.u32 $0xFFFF, v1  }
0x8a: {  	v1 =	vshrl.u32 v1, $0x10;
	[tilespmem:$0x5050] =	vst v2  }
0x8b: {  	[tilespmem:$0x5150] =	vst v1  }
0x8c: {  	v1 =	vld [tilespmem:s28+$0x160];
	_ =	sdelay $0x4  }
0x8d: {  	v2 =	vand.u32 $0xFFFF, v1  }
0x8e: {  	s29 =	simm.s32 $0x400;
	v1 =	vshrl.u32 v1, $0x10;
	[tilespmem:$0x5060] =	vst v2  }
.LBB2_4:
0x8f: {  	p1 =	sne.s32 s29, $0x13800;
	[tilespmem:$0x5160] =	vst v1;
	s30 =	smov.u32 s29;
	s29 =	sadd.s32 $0x400, s29  }
0x90: {  	v1 =	vld [tilespmem:s28+$0x170];
	_ =	sdelay $0x4  }
0x91: {  	v2 =	vand.u32 $0xFFFF, v1;
	v1 =	vshrl.u32 v1, $0x10  }
0x92: {  	[tilespmem:$0x5070] =	vst v2  }
0x93: {  	[tilespmem:$0x5170] =	vst v1  }
0x94: {  	[tilespmem:s18], [sflag:$0x1] =	stream.indirect.gather [hbm4b:s6+s16], $0x40, s17, s16, $0xb8;
	[tilespmem:$0x15200] =	vst v63  }
0x95: {  	_ =	swait.ge [sflag:s23], $0x2000  }
0x96: {  	[sflag:s23] =	ssyncset.done $0x0  }
0x97: {  	[sflag:s23] =	ssyncadd.s32 $0xFFFFE000  }
0x98: {  	[spmem:s2] =	stream.indirect.scatter.add.f32 [tilespmem:s20], [sflag:$0x3], $0x40, s26, s16, $0xb8;
	[tilespmem:$0x15200] =	vst v63  }
0x99: {  	_ =	swait.ge [sflag:s15], $0x2000  }
0x9a: {  	[sflag:s15] =	ssyncset.done $0x0  }
0x9b: {  	s28 =	sshra.s32 s30, $0x2;
	[sflag:s15] =	ssyncadd.s32 $0xFFFFE000  }
0x9c: {  	v1 =	vld [tilespmem:s28+$0x80];
	_ =	sdelay $0x4  }
0x9d: {  	v2 =	vand.u32 $0xFFFF, v1;
	v1 =	vshrl.u32 v1, $0x10  }
0x9e: {  	[tilespmem:$0x5080] =	vst v2  }
0x9f: {  	[tilespmem:$0x5180] =	vst v1  }
0xa0: {  	v1 =	vld [tilespmem:s28+$0x90];
	_ =	sdelay $0x4  }
0xa1: {  	v2 =	vand.u32 $0xFFFF, v1;
	v1 =	vshrl.u32 v1, $0x10  }
0xa2: {  	[tilespmem:$0x5090] =	vst v2  }
0xa3: {  	[tilespmem:$0x5190] =	vst v1  }
0xa4: {  	v1 =	vld [tilespmem:s28+$0xA0];
	_ =	sdelay $0x4  }
0xa5: {  	v2 =	vand.u32 $0xFFFF, v1;
	v1 =	vshrl.u32 v1, $0x10  }
0xa6: {  	[tilespmem:$0x50A0] =	vst v2  }
0xa7: {  	[tilespmem:$0x51A0] =	vst v1  }
0xa8: {  	v1 =	vld [tilespmem:s28+$0xB0];
	_ =	sdelay $0x4  }
0xa9: {  	v2 =	vand.u32 $0xFFFF, v1;
	v1 =	vshrl.u32 v1, $0x10  }
0xaa: {  	[tilespmem:$0x50B0] =	vst v2  }
0xab: {  	[tilespmem:$0x51B0] =	vst v1  }
0xac: {  	v1 =	vld [tilespmem:s28+$0xC0];
	_ =	sdelay $0x4  }
0xad: {  	v2 =	vand.u32 $0xFFFF, v1;
	v1 =	vshrl.u32 v1, $0x10  }
0xae: {  	[tilespmem:$0x50C0] =	vst v2  }
0xaf: {  	[tilespmem:$0x51C0] =	vst v1  }
0xb0: {  	v1 =	vld [tilespmem:s28+$0xD0];
	_ =	sdelay $0x4  }
0xb1: {  	v2 =	vand.u32 $0xFFFF, v1;
	v1 =	vshrl.u32 v1, $0x10  }
0xb2: {  	[tilespmem:$0x50D0] =	vst v2  }
0xb3: {  	[tilespmem:$0x51D0] =	vst v1  }
0xb4: {  	v1 =	vld [tilespmem:s28+$0xE0];
	_ =	sdelay $0x4  }
0xb5: {  	v2 =	vand.u32 $0xFFFF, v1;
	v1 =	vshrl.u32 v1, $0x10  }
0xb6: {  	[tilespmem:$0x50E0] =	vst v2  }
0xb7: {  	[tilespmem:$0x51E0] =	vst v1  }
0xb8: {  	v1 =	vld [tilespmem:s28+$0xF0];
	_ =	sdelay $0x4  }
0xb9: {  	v2 =	vand.u32 $0xFFFF, v1;
	v1 =	vshrl.u32 v1, $0x10  }
0xba: {  	[tilespmem:$0x50F0] =	vst v2  }
0xbb: {  	[tilespmem:$0x51F0] =	vst v1  }
0xbc: {  	[tilespmem:s20], [sflag:$0x2] =	stream.indirect.gather [hbm4b:s6+s16], $0x40, s19, s16, $0xb8;
	[tilespmem:$0x15200] =	vst v63  }
0xbd: {  	_ =	swait.ge [sflag:s21], $0x2000  }
0xbe: {  	[sflag:s21] =	ssyncset.done $0x0  }
0xbf: {  	[sflag:s21] =	ssyncadd.s32 $0xFFFFE000  }
0xc0: {  	[spmem:s2] =	stream.indirect.scatter.add.f32 [tilespmem:s18], [sflag:$0x3], $0x40, s22, s16, $0xb8;
	[tilespmem:$0x15200] =	vst v63  }
0xc1: {  	_ =	swait.ge [sflag:s15], $0x2000  }
0xc2: {  	[sflag:s15] =	ssyncset.done $0x0  }
0xc3: {  	[sflag:s15] =	ssyncadd.s32 $0xFFFFE000  }
0xc4: {  	v1 =	vld [tilespmem:s28+$0x100];
	_ =	sdelay $0x4  }
0xc5: {  	v2 =	vand.u32 $0xFFFF, v1;
	v1 =	vshrl.u32 v1, $0x10  }
0xc6: {  	[tilespmem:$0x5000] =	vst v2  }
0xc7: {  	[tilespmem:$0x5100] =	vst v1  }
0xc8: {  	v1 =	vld [tilespmem:s28+$0x110];
	_ =	sdelay $0x4  }
0xc9: {  	v2 =	vand.u32 $0xFFFF, v1;
	v1 =	vshrl.u32 v1, $0x10  }
0xca: {  	[tilespmem:$0x5010] =	vst v2  }
0xcb: {  	[tilespmem:$0x5110] =	vst v1  }
0xcc: {  	v1 =	vld [tilespmem:s28+$0x120];
	_ =	sdelay $0x4  }
0xcd: {  	v2 =	vand.u32 $0xFFFF, v1;
	v1 =	vshrl.u32 v1, $0x10  }
0xce: {  	[tilespmem:$0x5020] =	vst v2  }
0xcf: {  	[tilespmem:$0x5120] =	vst v1  }
0xd0: {  	v1 =	vld [tilespmem:s28+$0x130];
	_ =	sdelay $0x4  }
0xd1: {  	v2 =	vand.u32 $0xFFFF, v1;
	v1 =	vshrl.u32 v1, $0x10  }
0xd2: {  	[tilespmem:$0x5030] =	vst v2  }
0xd3: {  	[tilespmem:$0x5130] =	vst v1  }
0xd4: {  	v1 =	vld [tilespmem:s28+$0x140];
	_ =	sdelay $0x4  }
0xd5: {  	v2 =	vand.u32 $0xFFFF, v1;
	v1 =	vshrl.u32 v1, $0x10  }
0xd6: {  	[tilespmem:$0x5040] =	vst v2  }
0xd7: {  	[tilespmem:$0x5140] =	vst v1  }
0xd8: {  	v1 =	vld [tilespmem:s28+$0x150];
	_ =	sdelay $0x4  }
0xd9: {  	v2 =	vand.u32 $0xFFFF, v1;
	v1 =	vshrl.u32 v1, $0x10  }
0xda: {  	[tilespmem:$0x5050] =	vst v2  }
0xdb: {  	[tilespmem:$0x5150] =	vst v1  }
0xdc: {  	v1 =	vld [tilespmem:s28+$0x160];
	_ =	sdelay $0x1  }
.Ltmp1:
0xdd: {  	(pc) =	sbr.rel @p1 .LBB2_4-.Ltmp1, $3  }
0xde: {  	_ =	sdelay $0x1  }
0xdf: {  	v2 =	vand.u32 $0xFFFF, v1;
	v1 =	vshrl.u32 v1, $0x10  }
0xe0: {  	[tilespmem:$0x5060] =	vst v2  }
0xe1: {  	[tilespmem:$0x5160] =	vst v1  }
0xe2: {  	v1 =	vld [tilespmem:s28+$0x170];
	_ =	sdelay $0x4  }
0xe3: {  	v2 =	vand.u32 $0xFFFF, v1  }
0xe4: {  	v1 =	vshrl.u32 v1, $0x10;
	[tilespmem:$0x5070] =	vst v2  }
0xe5: {  	[tilespmem:$0x5170] =	vst v1  }
0xe6: {  	[tilespmem:s18], [sflag:$0x1] =	stream.indirect.gather [hbm4b:s6+s16], $0x40, s17, s16, $0xb8;
	[tilespmem:$0x15200] =	vst v63  }
0xe7: {  	_ =	swait.ge [sflag:s23], $0x2000  }
0xe8: {  	[sflag:s23] =	ssyncset.done $0x0  }
0xe9: {  	[sflag:s23] =	ssyncadd.s32 $0xFFFFE000  }
0xea: {  	[spmem:s2] =	stream.indirect.scatter.add.f32 [tilespmem:s20], [sflag:$0x3], $0x40, s26, s16, $0xb8;
	[tilespmem:$0x15200] =	vst v63  }
0xeb: {  	_ =	swait.ge [sflag:s15], $0x2000  }
0xec: {  	[sflag:s15] =	ssyncset.done $0x0  }
0xed: {  	[sflag:s15] =	ssyncadd.s32 $0xFFFFE000  }
0xee: {  	_ =	swait.ge [sflag:s21], $0x2000  }
0xef: {  	[sflag:s21] =	ssyncset.done $0x0  }
0xf0: {  	[sflag:s21] =	ssyncadd.s32 $0xFFFFE000  }
0xf1: {  	s28 =	simm.s32 @p0 $0x1FC3;
	[bflag:$0x0] =	sbarrier.arrive $0xFFFF  }
0xf2: {  	[hbm:s8], [sflag:s28] =	dma.local @p0 [spmem:s24], $0xC80  }
0xf3: {  	s28 =	simm.s32 @p0 $0x3  }
0xf4: {  	_ =	swait.ge @p0 [sflag:s28], $0xC80  }
0xf5: {  	s29 =	sshll.u32 @!p0 s1, $0x6;
	s3 =	sadd.s32 $0x1, s3;
	[sflag:s28] =	ssyncset.done @p0 $0x0  }
0xf6: {  	p1 =	sne.s32 s3, s9;
	[sflag:s28] =	ssyncadd.s32 @p0 $0xFFFFF380;
	s28 =	sor.u32 @!p0 $0x1C03, s29  }
0xf7: {  	[hbm:s7], [sflag:s28] =	dma.local @!p0 [spmem:s25], $0x1400  }
.Ltmp2:
0xf8: {  	_ = 	snop;
	(pc) =	sbr.rel @p1 .LBB2_1-.Ltmp2, $4  }
0xf9: {  	s28 =	simm.s32 @!p0 $0x3  }
0xfa: {  	_ =	swait.ge @!p0 [sflag:s28], $0x1400  }
0xfb: {  	[sflag:s28] =	ssyncset.done @!p0 $0x0  }
0xfc: {  	[sflag:s28] =	ssyncadd.s32 @!p0 $0xFFFFEC00  }
0xfd: {  	_ =	sfence.sel $0x180000  }
0xfe: {  	[bflag:$0x0] =	sbarrier.arrive $0xFFFF  }
0xff: {  	p0 =	sne.s32 s1, $0x0;
	_ =	strace $0x9000004D  }
0x100: {  	s0 =	sadd.s32 @!p0 $0x100000, s0;
	[bflag:$0x2] =	sbarrier.arrive $0xFFFF  }
0x101: {  	[sflag:s0] =	ssyncadd.tile.s32 @!p0 $0x1;
	_ =	shalt  }
.Lfunc_end2:
_tile_overlayer_lowered:
.L_overlay_start_2:
0x102: {  	(tag) =	ssettag $0x2  }
0x103: {  	s0 =	rddreg [dreg:$0x0];
	s2 =	stileid.u32  }
0x104: {  	s1 =	rddreg [dreg:$0x1];
	p0 =	sne.s32 s2, $0x0  }
0x105: {  	s3 =	rddreg [dreg:$0x2];
	[bflag:$0x3] =	sbarrier.arrive $0xFFFF;
	s2 =	simm.s32 @!p0 $0x1C03  }
0x106: {  	[timem:s3], [sflag:s2] =	dma.local @!p0 [hbm:s0], s1  }
0x107: {  	s0 =	simm.s32 @!p0 $0x3  }
0x108: {  	_ =	swait.ge @!p0 [sflag:s0], s1  }
0x109: {  	s1 =	ssub.s32 @!p0 $0x0, s1;
	[sflag:s0] =	ssyncset.done @!p0 $0x0  }
0x10a: {  	[sflag:s0] =	ssyncadd.s32 @!p0 s1  }
0x10b: {  	[bflag:$0x3] =	sbarrier.arrive $0xFFFF  }
0x10c: {  	_ =	shalt  }

// kernel: kernel.7.cloned.1.call-start
scs
__scs_entry_jumppad:
0x0: {  	(pc) =	sbr.rel $0x88, $3  }
0x1: {  	(tag) =	ssettag $0x0;
	lr =	simm.s32 $0x1  }
0x2: {  	[smem:$0x3F99] =	sst lr;
	_ =	strace $0xD0000000  }
0x3: {  	_ = 	snop  }
0x4: {  	_ = 	snop  }
0x5: {  	_ = 	snop  }
0x6: {  	_ = 	snop  }
0x7: {  	_ = 	snop  }
__scs_overlays_trampoline_lowered:
0x8: {  	[smem:$0x3FA8] =	sst s0  }
0x9: {  	[smem:$0x3FA9] =	sst s1  }
0xa: {  	[smem:$0x3FAA] =	sst s2  }
0xb: {  	[smem:$0x3FAB] =	sst s3  }
0xc: {  	[smem:$0x3FAC] =	sst s4  }
0xd: {  	[smem:$0x3FAD] =	sst s5  }
0xe: {  	[smem:$0x3FAE] =	sst s6  }
0xf: {  	[smem:$0x3FAF] =	sst s7  }
0x10: {  	[smem:$0x3FB0] =	sst s8  }
0x11: {  	[smem:$0x3FB1] =	sst s9;
	s0 =	simm.s32 @!p0 $0x0  }
0x12: {  	s1 =	sld [smem:$0x3F97];
	s0 =	simm.s32 @p0 $0x1  }
0x13: {  	[smem:$0x3FB2] =	sst s0;
	s0 =	simm.s32 @!p1 $0x0  }
0x14: {  	s2 =	sld [smem:$0x3F96];
	s0 =	simm.s32 @p1 $0x1  }
0x15: {  	[smem:$0x3FB3] =	sst s0;
	s0 =	simm.s32 @!p2 $0x0  }
0x16: {  	s3 =	sld [smem:$0x3FDB];
	s0 =	simm.s32 @p2 $0x1  }
0x17: {  	s4 =	simm.s32 $0x1BF5;
	[smem:$0x3FB5] =	sst s0  }
0x18: {  	s0 =	sld [smem:$0x3F98];
	_ =	swait.ge [sflag:s4], $0x0  }
0x19: {  	s7 =	sld [smem:$0x3F99]  }
0x1a: {  	s8 =	sadd.s32 $0xFFFFE003, lr  }
0x1b: {  	s9 =	sadd.s32 $0xFFFFFEF7, lr;
	s5 =	simm.s32 $0xFFFFFFFF;
	p2 =	slt.u32 s8, $0xFFFFF086  }
0x1c: {  	p1 =	slt.u32 s9, $0xF7A;
	s5 =	simm.s32 @!p2 $0x0  }
0x1d: {  	s5 =	simm.s32 @p1 $0x1;
	p0 =	seq.s32 s7, s2  }
0x1e: {  	s7 =	smul.u32 @!p0 $0xF7A, s2;
	p2 =	seq.s32 @!p0 s5, $0x0  }
0x1f: {  	s9 =	smul.u32 $0xF7A, s1;
	s8 =	simm.s32 @!p0 $0x1BF5;
	p2 =	por !p2, p0  }
0x20: {  	[sflag:s8] =	ssyncset.s32 @!p0 $0xFFFFF086;
	s6 =	sadd.s32 @!p0 s3, s7;
	s7 =	simm.s32 @!p0 $0x108  }
0x21: {  	s3 =	sadd.s32 s3, s9;
	s6 =	sadd.s32 @!p0 $0x88, s6;
	s7 =	simm.s32 @p2 $0x1082  }
0x22: {  	[simem:s7], [sflag:s8] =	dma.local @!p0 [hbm:s6], $0xF7A  }
0x23: {  	s9 =	sor.u32 $0xD0000000, s2;
	s6 =	simm.s32 $0x108;
	_ =	swait.ge @!p0 [sflag:s8], $0x0  }
0x24: {  	s3 =	sadd.s32 $0x88, s3;
	s6 =	simm.s32 @!p1 $0x1082;
	[sflag:s4] =	ssyncset.s32 $0xFFFFF086  }
0x25: {  	[simem:s6], [sflag:s4] =	dma.local [hbm:s3], $0xF7A  }
0x26: {  	[smem:$0x3F99] =	sst s1;
	(tag) =	ssettag s2;
	_ =	strace s9  }
0x27: {  	s1 =	sld [smem:$0x3FA9]  }
0x28: {  	s2 =	sld [smem:$0x3FAA]  }
0x29: {  	s4 =	sld [smem:$0x3FAC]  }
0x2a: {  	p0 =	seq.s32 s5, $0x0;
	s5 =	sld [smem:$0x3FAD]  }
0x2b: {  	s6 =	sld [smem:$0x3FAE]  }
0x2c: {  	s7 =	sld [smem:$0x3FAF]  }
0x2d: {  	s3 =	simm.s32 $0x108;
	s8 =	sld [smem:$0x3FB0]  }
0x2e: {  	s3 =	simm.s32 @!p0 $0x1082;
	s9 =	sld [smem:$0x3FB1]  }
0x2f: {  	lr =	sadd.s32 s0, s3;
	s0 =	sld [smem:$0x3FA8]  }
0x30: {  	s3 =	sld [smem:$0x3FAB]  }
0x31: {  	[smem:$0x3FB4] =	sst s10  }
0x32: {  	s10 =	sld [smem:$0x3FB2];
	_ =	sdelay $0x3  }
0x33: {  	p0 =	seq.s32 s10, $0x1;
	s10 =	sld [smem:$0x3FB4];
	_ =	sdelay $0x3  }
0x34: {  	[smem:$0x3FB4] =	sst s10  }
0x35: {  	s10 =	sld [smem:$0x3FB3];
	_ =	sdelay $0x3  }
0x36: {  	p1 =	seq.s32 s10, $0x1;
	s10 =	sld [smem:$0x3FB4];
	_ =	sdelay $0x3  }
0x37: {  	[smem:$0x3FB4] =	sst s10  }
0x38: {  	s10 =	sld [smem:$0x3FB5]  }
0x39: {  	_ = 	snop;
	(pc) =	sbr.ind lr, $3  }
0x3a: {  	_ = 	snop  }
0x3b: {  	_ = 	snop  }
0x3c: {  	p2 =	seq.s32 s10, $0x1;
	s10 =	sld [smem:$0x3FB4]  }
0x3d: {  	_ =	shalt  }
0x3e: {  	_ =	shalt  }
0x3f: {  	_ =	shalt  }
0x40: {  	_ =	shalt  }
0x41: {  	_ =	shalt  }
0x42: {  	_ =	shalt  }
0x43: {  	_ =	shalt  }
0x44: {  	_ =	shalt  }
0x45: {  	_ =	shalt  }
0x46: {  	_ =	shalt  }
0x47: {  	_ =	shalt  }
0x48: {  	_ =	shalt  }
0x49: {  	_ =	shalt  }
0x4a: {  	_ =	shalt  }
0x4b: {  	_ =	shalt  }
0x4c: {  	_ =	shalt  }
0x4d: {  	_ =	shalt  }
0x4e: {  	_ =	shalt  }
0x4f: {  	_ =	shalt  }
0x50: {  	_ =	shalt  }
0x51: {  	_ =	shalt  }
0x52: {  	_ =	shalt  }
0x53: {  	_ =	shalt  }
0x54: {  	_ =	shalt  }
0x55: {  	_ =	shalt  }
0x56: {  	_ =	shalt  }
0x57: {  	_ =	shalt  }
0x58: {  	_ =	shalt  }
0x59: {  	_ =	shalt  }
0x5a: {  	_ =	shalt  }
0x5b: {  	_ =	shalt  }
0x5c: {  	_ =	shalt  }
0x5d: {  	_ =	shalt  }
0x5e: {  	_ =	shalt  }
0x5f: {  	_ =	shalt  }
0x60: {  	_ =	shalt  }
0x61: {  	_ =	shalt  }
0x62: {  	_ =	shalt  }
0x63: {  	_ =	shalt  }
0x64: {  	_ =	shalt  }
0x65: {  	_ =	shalt  }
0x66: {  	_ =	shalt  }
0x67: {  	_ =	shalt  }
0x68: {  	_ =	shalt  }
0x69: {  	_ =	shalt  }
0x6a: {  	_ =	shalt  }
0x6b: {  	_ =	shalt  }
0x6c: {  	_ =	shalt  }
0x6d: {  	_ =	shalt  }
0x6e: {  	_ =	shalt  }
0x6f: {  	_ =	shalt  }
0x70: {  	_ =	shalt  }
0x71: {  	_ =	shalt  }
0x72: {  	_ =	shalt  }
0x73: {  	_ =	shalt  }
0x74: {  	_ =	shalt  }
0x75: {  	_ =	shalt  }
0x76: {  	_ =	shalt  }
0x77: {  	_ =	shalt  }
0x78: {  	_ =	shalt  }
0x79: {  	_ =	shalt  }
0x7a: {  	_ =	shalt  }
0x7b: {  	_ =	shalt  }
0x7c: {  	_ =	shalt  }
0x7d: {  	_ =	shalt  }
0x7e: {  	_ =	shalt  }
0x7f: {  	_ =	shalt  }
0x80: {  	_ =	shalt  }
0x81: {  	_ =	shalt  }
0x82: {  	_ =	shalt  }
0x83: {  	_ =	shalt  }
0x84: {  	_ =	shalt  }
0x85: {  	_ =	shalt  }
0x86: {  	_ =	shalt  }
0x87: {  	_ =	shalt  }
.Lfunc_end0:
.L_simem_size_0:
called_computation_lowered:
.L_overlay_start_0:
0x88: {  	s2 =	sld [smem:$0x3FD9]  }
0x89: {  	s3 =	sld [smem:$0x3FFE];
	_ =	sdelay $0x1  }
0x8a: {  	s1 =	srdreg.scid  }
0x8b: {  	s0 =	sand.u32 $0x1, s1  }
0x8c: {  	s17 =	sshll.u32 s0, $0xA;
	s2 =	sadd.s32 s3, s2  }
0x8d: {  	s2 =	sadd.s32 s2, s17  }
0x8e: {  	[smem:$0x3FC0] =	sst s2  }
0x8f: {  	_ = 	snop  }
0x90: {  	(tm) =	ssettm $0x1  }
0x91: {  	s18 =	sld [smem:$0x3FFB];
	_ =	sdelay $0x3  }
0x92: {  	_ =	strace s18  }
0x93: {  	s2 =	sld [smem:$0x3FFC];
	_ =	sdelay $0x3  }
0x94: {  	_ =	strace s2  }
0x95: {  	s2 =	sld [smem:$0x3FFD];
	_ =	sdelay $0x3  }
0x96: {  	_ =	strace s2  }
0x97: {  	_ =	strace $0x8FFFFFFF  }
0x98: {  	s19 =	sld [smem:$0x3FDB];
	_ =	sdelay $0x1  }
0x99: {  	s20 =	simm.s32 $_scs_section_size  }
0x9a: {  	s4 =	simm.s32 $_size__tile_overlayer_lowered;
	s5 =	simm.s32 $_tile_overlayer_lowered  }
0x9b: {  	s6 =	simm.s32 $0x1BFF;
	s21 =	sshll.u32 s5, $0x1;
	s3 =	sadd.s32 s20, s19  }
0x9c: {  	s22 =	simm.s32 $0x0;
	s4 =	sshll.u32 s4, $0x1;
	s5 =	sadd.s32 s21, s3  }
0x9d: {  	[timem:s22], [sflag:s6] =	dma.local [hbm:s5], s4  }
0x9e: {  	_ =	swait.ge [sflag:s6], s4  }
0x9f: {  	s4 =	ssub.s32 $0x0, s4;
	[sflag:s6] =	ssyncset.done $0x0  }
0xa0: {  	[sflag:s6] =	ssyncadd.s32 s4;
	_ =	sdelay $0x1  }
0xa1: {  	s23 =	simm.s32 $0x1B8B  }
0xa2: {  	_ =	swait.ge [sflag:s23], $0x1  }
0xa3: {  	[sflag:s23] =	ssyncset.done $0x0  }
0xa4: {  	[sflag:s23] =	ssyncadd.s32 $0xFFFFFFFF  }
0xa5: {  	s4 =	sld [smem:$0x0]  }
0xa6: {  	s5 =	sand.u32 $0xFFFFFFFE, s1  }
0xa7: {  	p0 =	sne.s32 s1, s5  }
0xa8: {  	s5 =	sshll.u32 @p0 s5, $0xE  }
0xa9: {  	s5 =	sadd.s32 @p0 $0x11B8D, s5;
	s6 =	sshll.u32 @p0 s4, $0x11  }
0xaa: {  	s5 =	sor.u32 @p0 s6, s5  }
0xab: {  	[sflag:s5] =	ssyncadd.remote.s32 @p0 $0x1;
	_ =	sdelay $0x1  }
0xac: {  	s5 =	simm.s32 @p0 $0x1B8D  }
0xad: {  	_ =	swait.eq @p0 [sflag:s5], $0x1  }
0xae: {  	[sflag:s5] =	ssyncadd.s32 @p0 $0xFFFFFFFF  }
0xaf: {  	s6 =	sshll.u32 @!p0 s1, $0xE  }
0xb0: {  	s6 =	sor.u32 @!p0 $0x4000, s6;
	s5 =	simm.s32 @!p0 $0x1B8D  }
0xb1: {  	s4 =	sshll.u32 @!p0 s4, $0x11;
	s6 =	sadd.s32 @!p0 $0x11B8D, s6;
	_ =	swait.eq @!p0 [sflag:s5], $0x1  }
0xb2: {  	s4 =	sor.u32 @!p0 s4, s6;
	[sflag:s5] =	ssyncadd.s32 @!p0 $0xFFFFFFFF  }
0xb3: {  	s25 =	simm.s32 $0x1B8E;
	s24 =	sld [smem:$0x3FFE];
	[sflag:s4] =	ssyncadd.remote.s32 @!p0 $0x1  }
0xb4: {  	s26 =	simm.s32 $execute0_lowered;
	[smem:$0x3FD2] =	sst s25  }
0xb5: {  	s5 =	sshll.u32 s26, $0x1;
	_ =	strace $0x80000049;
	[dreg:$0x1] =	wrdreg $0xFFFFFFFF  }
0xb6: {  	s28 =	simm.s32 $_size_execute0_lowered;
	s3 =	sadd.s32 s3, s5;
	[dreg:$0x0] =	wrdreg $0x0  }
0xb7: {  	s5 =	sshll.u32 s28, $0x1;
	[dreg:$0x2] =	wrdreg s3  }
0xb8: {  	[dreg:$0x3] =	wrdreg s5  }
0xb9: {  	[dreg:$0x4] =	wrdreg $0xC0  }
0xba: {  	_ =	task [dreg:s22], $0x5FFFF  }
0xbb: {  	[dreg:$0x1] =	wrdreg $0xFFFFFFFF  }
0xbc: {  	[dreg:$0x0] =	wrdreg $0x60  }
0xbd: {  	[dreg:$0x2] =	wrdreg s24  }
0xbe: {  	[dreg:$0x3] =	wrdreg $0x60800  }
0xbf: {  	[dreg:$0x4] =	wrdreg $0x9  }
0xc0: {  	_ =	task.clear_ibuf [dreg:s22], $0x5FFFF;
	_ =	strace $0x90000049  }
0xc1: {  	s29 =	simm.s32 $0x9;
	_ =	strace $0x8000004B  }
0xc2: {  	_ =	swait.ge [sflag:s29], $0x1  }
0xc3: {  	[sflag:s29] =	ssyncadd.s32 $0xFFFFFFFF  }
0xc4: {  	_ =	strace $0x9000004B  }
0xc5: {  	_ =	sfence  }
0xc6: {  	s30 =	sld [smem:$0x0];
	_ =	sdelay $0x2  }
0xc7: {  	s31 =	sshll.u32 s1, $0xD;
	s1 =	sshrl.u32 s1, $0x2  }
0xc8: {  	s4 =	sand.u32 $0x4000, s31;
	s1 =	sadd.s32 s1, s30  }
0xc9: {  	s0 =	sor.u32 s4, s0;
	s1 =	sshll.u32 s1, $0x11  }
0xca: {  	s0 =	sor.u32 s1, s0  }
0xcb: {  	s0 =	sadd.s32 $0x8F2B, s0  }
0xcc: {  	[sflag:s0] =	ssyncadd.remote.s32 $0x1  }
0xcd: {  	_ =	sfence.sel $0xFFFF  }
0xce: {  	[dreg:$0x0] =	wrdreg $0xFFFFFFFF;
	(pc) =	sbr.abs _section_cstart, $3  }
0xcf: {  	[dreg:$0x1] =	wrdreg $0xFFFFFFFF  }
0xd0: {  	_ =	task.clear_ibuf [dreg:s22], $0x2FFFF;
	_ =	strace $0x9FFFFFFF  }
0xd1: {  	(tm) =	ssettm $0x7FFFFFFF  }
tec
execute0_lowered:
.L_overlay_start_1:
0x0: {  	(tag) =	ssettag $0x1  }
0x1: {  	s4 =	rddreg [dreg:$0x0]  }
0x2: {  	s2 =	rddreg [dreg:$0x1]  }
0x3: {  	s0 =	rddreg [dreg:$0x2]  }
0x4: {  	s1 =	stileid.u32;
	s3 =	simm.s32 $0x0;
	s6 =	srdreg.scid  }
0x5: {  	s13 =	simm.s32 $0x5880;
	s14 =	simm.s32 $0x1;
	s15 =	simm.s32 $0x80  }
0x6: {  	s16 =	simm.s32 $0x5000;
	s17 =	simm.s32 $0x5080;
	s5 =	smul.u32 $0xA00, s1  }
0x7: {  	[smem:$0x7FF] =	sst s3;
	s6 =	sand.u32 $0x1, s6;
	s7 =	smul.u32 $0xA000, s1  }
0x8: {  	s9 =	smul.u32 $0x2800, s1;
	s10 =	sadd.s32 $0x81C00, s4;
	s18 =	sadd.s32 $0x25800, s2  }
0x9: {  	p0 =	seq.s32 s1, $0xF;
	_ =	strace $0x8000004A;
	s8 =	smul.u32 $0x27100, s6  }
0xa: {  	s6 =	ssub.s32 $0x2, s6;
	s18 =	sshrl.u32 @p0 s18, $0x3;
	s5 =	sadd.s32 s5, s4  }
0xb: {  	s29 =	sshrl.u32 s6, $0x1;
	s7 =	sshrl.u32 s7, $0x2;
	s19 =	sadd.s32 s9, s2  }
0xc: {  	s11 =	ssub.s32 s6, s29;
	s4 =	sadd.s32 s7, s2;
	s30 =	sadd.s32 s9, s8  }
0xd: {  	s5 =	sadd.s32 $0x50A00, s5;
	s31 =	sshrl.u32 s8, $0x3;
	s19 =	sshrl.u32 @!p0 s19, $0x3  }
0xe: {  	s6 =	sshrl.u32 s30, $0x3;
	s7 =	sadd.s32 s10, s31;
	s8 =	smax.u32 s11, $0x1  }
0xf: {  	s9 =	sadd.s32 $0x800, s4;
	s11 =	sadd.s32 $0x1800, s4;
	s12 =	sadd.s32 $0x2000, s4  }
0x10: {  	v0 =	vimm.f32 $0.0e+00;
	v1 =	vimm.f32 $1.000000000e+00;
	s6 =	sadd.s32 s10, s6;
	s7 =	sadd.s32 $0x4B00, s7;
	s10 =	sadd.s32 $0x1000, s4  }
.LBB2_1:
0x11: {  	s20 =	simm.s32 $0x0  }
.LBB2_2:
0x12: {  	p1 =	sne.s32 s20, $0x1FC0  }
.Ltmp0:
0x13: {  	_ = 	snop;
	(pc) =	sbr.rel @p1 .LBB2_2-.Ltmp0, $3  }
0x14: {  	_ =	sdelay $0x1  }
0x15: {  	s21 =	sshra.s32 s20, $0x2  }
0x16: {  	s20 =	sadd.s32 $0x40, s20;
	[tilespmem:s21+$0x5880] =	vst v0  }
0x17: {  	s20 =	simm.s32 $0x40;
	s21 =	simm.s32 $0x0  }
.LBB2_4:
0x18: {  	p1 =	sne.s32 s20, $0x1FC0;
	[tilespmem:s21+$0x5080] =	vst v1;
	s21 =	smov.u32 s20;
	s20 =	sadd.s32 $0x40, s20  }
.Ltmp1:
0x19: {  	(pc) =	sbr.rel @p1 .LBB2_4-.Ltmp1, $2  }
0x1a: {  	_ =	sdelay $0x2  }
0x1b: {  	s21 =	sshra.s32 s21, $0x2  }
0x1c: {  	[tilespmem:s21+$0x5080] =	vst v1  }
0x1d: {  	[spmem:s4] =	stream.linear.scatter [tilespmem:s13], [sflag:$0x1], $0x800, $0x38;
	[tilespmem:$0x8880] =	vst v63  }
0x1e: {  	_ =	swait.ge [sflag:s14], $0x800  }
0x1f: {  	[sflag:s14] =	ssyncset.done $0x0  }
0x20: {  	[sflag:s14] =	ssyncadd.s32 $0xFFFFF800  }
0x21: {  	[spmem:s9] =	stream.linear.scatter [tilespmem:s13], [sflag:$0x1], $0x800, $0x38;
	[tilespmem:$0x8880] =	vst v63  }
0x22: {  	_ =	swait.ge [sflag:s14], $0x800  }
0x23: {  	[sflag:s14] =	ssyncset.done $0x0  }
0x24: {  	[sflag:s14] =	ssyncadd.s32 $0xFFFFF800  }
0x25: {  	[spmem:s10] =	stream.linear.scatter [tilespmem:s13], [sflag:$0x1], $0x800, $0x38;
	[tilespmem:$0x8880] =	vst v63  }
0x26: {  	_ =	swait.ge [sflag:s14], $0x800  }
0x27: {  	[sflag:s14] =	ssyncset.done $0x0  }
0x28: {  	[sflag:s14] =	ssyncadd.s32 $0xFFFFF800  }
0x29: {  	[spmem:s11] =	stream.linear.scatter [tilespmem:s13], [sflag:$0x1], $0x800, $0x38;
	[tilespmem:$0x8880] =	vst v63  }
0x2a: {  	_ =	swait.ge [sflag:s14], $0x800  }
0x2b: {  	[sflag:s14] =	ssyncset.done $0x0  }
0x2c: {  	[sflag:s14] =	ssyncadd.s32 $0xFFFFF800  }
0x2d: {  	[spmem:s12] =	stream.linear.scatter [tilespmem:s13], [sflag:$0x1], $0x800, $0x38;
	[tilespmem:$0x8880] =	vst v63  }
0x2e: {  	_ =	swait.ge [sflag:s14], $0x800  }
0x2f: {  	[sflag:s14] =	ssyncset.done $0x0  }
0x30: {  	s20 =	simm.s32 $0x0;
	[sflag:s14] =	ssyncadd.s32 $0xFFFFF800  }
0x31: {  	[tilespmem:s20], [sflag:$0x1] =	stream.linear.gather [hbm4b:s5+s20], $0x5000, $0x38;
	[tilespmem:$0x8880] =	vst v63  }
0x32: {  	_ =	swait.ge [sflag:s14], $0x5000  }
0x33: {  	[sflag:s14] =	ssyncset.done $0x0  }
0x34: {  	[sflag:s14] =	ssyncadd.s32 $0xFFFFB000  }
0x35: {  	s31 =	simm.s32 $0x0;
	[bflag:$0x0] =	sbarrier.arrive $0xFFFF  }
0x36: {  	v2 =	vld [tilespmem:s31+$0x0];
	_ =	sdelay $0x4  }
0x37: {  	v2 =	vshrl.u32 v2, $0x10  }
0x38: {  	[tilespmem:$0x5000] =	vst v2  }
0x39: {  	v2 =	vld [tilespmem:s31+$0x10];
	_ =	sdelay $0x4  }
0x3a: {  	v2 =	vshrl.u32 v2, $0x10  }
0x3b: {  	[tilespmem:$0x5010] =	vst v2  }
0x3c: {  	v2 =	vld [tilespmem:s31+$0x20];
	_ =	sdelay $0x4  }
0x3d: {  	v2 =	vshrl.u32 v2, $0x10  }
0x3e: {  	[tilespmem:$0x5020] =	vst v2  }
0x3f: {  	v2 =	vld [tilespmem:s31+$0x30];
	_ =	sdelay $0x4  }
0x40: {  	v2 =	vshrl.u32 v2, $0x10  }
0x41: {  	[tilespmem:$0x5030] =	vst v2  }
0x42: {  	v2 =	vld [tilespmem:s31+$0x40];
	_ =	sdelay $0x4  }
0x43: {  	v2 =	vshrl.u32 v2, $0x10  }
0x44: {  	[tilespmem:$0x5040] =	vst v2  }
0x45: {  	v2 =	vld [tilespmem:s31+$0x50];
	_ =	sdelay $0x4  }
0x46: {  	v2 =	vshrl.u32 v2, $0x10  }
0x47: {  	[tilespmem:$0x5050] =	vst v2  }
0x48: {  	v2 =	vld [tilespmem:s31+$0x60];
	_ =	sdelay $0x4  }
0x49: {  	v2 =	vshrl.u32 v2, $0x10  }
0x4a: {  	[tilespmem:$0x5060] =	vst v2  }
0x4b: {  	v2 =	vld [tilespmem:s31+$0x70];
	_ =	sdelay $0x4  }
0x4c: {  	v2 =	vshrl.u32 v2, $0x10  }
0x4d: {  	[tilespmem:$0x5070] =	vst v2  }
0x4e: {  	[spmem:s2] =	stream.indirect.scatter.add.f32 [tilespmem:s17], [sflag:$0x1], $0x10, s16, s15, $0xb8;
	[tilespmem:$0x8880] =	vst v63  }
0x4f: {  	_ =	swait.ge [sflag:s14], $0x800  }
0x50: {  	s23 =	simm.s32 $0x400;
	s20 =	simm.s32 $0x200;
	[sflag:s14] =	ssyncset.done $0x0  }
.LBB2_6:
0x51: {  	s22 =	sshra.s32 s20, $0x2  }
0x52: {  	[sflag:s14] =	ssyncadd.s32 $0xFFFFF800;
	s20 =	smov.u32 s23;
	s21 =	sadd.s32 $0x200, s23  }
0x53: {  	p1 =	sne.s32 s23, $0x13A00;
	v2 =	vld [tilespmem:s22+$0x0];
	_ =	sdelay $0x4  }
0x54: {  	v2 =	vshrl.u32 v2, $0x10  }
0x55: {  	[tilespmem:$0x5000] =	vst v2  }
0x56: {  	v2 =	vld [tilespmem:s22+$0x10];
	_ =	sdelay $0x4  }
0x57: {  	v2 =	vshrl.u32 v2, $0x10  }
0x58: {  	[tilespmem:$0x5010] =	vst v2  }
0x59: {  	v2 =	vld [tilespmem:s22+$0x20];
	_ =	sdelay $0x4  }
0x5a: {  	v2 =	vshrl.u32 v2, $0x10  }
0x5b: {  	[tilespmem:$0x5020] =	vst v2  }
0x5c: {  	v2 =	vld [tilespmem:s22+$0x30];
	_ =	sdelay $0x4  }
0x5d: {  	v2 =	vshrl.u32 v2, $0x10  }
0x5e: {  	[tilespmem:$0x5030] =	vst v2  }
0x5f: {  	v2 =	vld [tilespmem:s22+$0x40];
	_ =	sdelay $0x4  }
0x60: {  	v2 =	vshrl.u32 v2, $0x10  }
0x61: {  	[tilespmem:$0x5040] =	vst v2  }
0x62: {  	v2 =	vld [tilespmem:s22+$0x50];
	_ =	sdelay $0x4  }
0x63: {  	v2 =	vshrl.u32 v2, $0x10  }
0x64: {  	[tilespmem:$0x5050] =	vst v2  }
0x65: {  	v2 =	vld [tilespmem:s22+$0x60];
	_ =	sdelay $0x4  }
0x66: {  	v2 =	vshrl.u32 v2, $0x10  }
0x67: {  	[tilespmem:$0x5060] =	vst v2  }
0x68: {  	v2 =	vld [tilespmem:s22+$0x70];
	_ =	sdelay $0x4  }
.Ltmp2:
0x69: {  	v2 =	vshrl.u32 v2, $0x10;
	(pc) =	sbr.rel @p1 .LBB2_6-.Ltmp2, $4  }
0x6a: {  	[tilespmem:$0x5070] =	vst v2  }
0x6b: {  	[spmem:s2] =	stream.indirect.scatter.add.f32 [tilespmem:s17], [sflag:$0x1], $0x10, s16, s15, $0xb8;
	[tilespmem:$0x8880] =	vst v63  }
0x6c: {  	_ =	swait.ge [sflag:s14], $0x800  }
0x6d: {  	s23 =	smov.u32 s21;
	[sflag:s14] =	ssyncset.done $0x0  }
0x6e: {  	s20 =	sshra.s32 s20, $0x2;
	[sflag:s14] =	ssyncadd.s32 $0xFFFFF800  }
0x6f: {  	v2 =	vld [tilespmem:s20+$0x0];
	_ =	sdelay $0x4  }
0x70: {  	v2 =	vshrl.u32 v2, $0x10  }
0x71: {  	[tilespmem:$0x5000] =	vst v2  }
0x72: {  	v2 =	vld [tilespmem:s20+$0x10];
	_ =	sdelay $0x4  }
0x73: {  	v2 =	vshrl.u32 v2, $0x10  }
0x74: {  	[tilespmem:$0x5010] =	vst v2  }
0x75: {  	v2 =	vld [tilespmem:s20+$0x20];
	_ =	sdelay $0x4  }
0x76: {  	v2 =	vshrl.u32 v2, $0x10  }
0x77: {  	[tilespmem:$0x5020] =	vst v2  }
0x78: {  	v2 =	vld [tilespmem:s20+$0x30];
	_ =	sdelay $0x4  }
0x79: {  	v2 =	vshrl.u32 v2, $0x10  }
0x7a: {  	[tilespmem:$0x5030] =	vst v2  }
0x7b: {  	v2 =	vld [tilespmem:s20+$0x40];
	_ =	sdelay $0x4  }
0x7c: {  	v2 =	vshrl.u32 v2, $0x10  }
0x7d: {  	[tilespmem:$0x5040] =	vst v2  }
0x7e: {  	v2 =	vld [tilespmem:s20+$0x50];
	_ =	sdelay $0x4  }
0x7f: {  	v2 =	vshrl.u32 v2, $0x10  }
0x80: {  	[tilespmem:$0x5050] =	vst v2  }
0x81: {  	v2 =	vld [tilespmem:s20+$0x60];
	_ =	sdelay $0x4  }
0x82: {  	v2 =	vshrl.u32 v2, $0x10  }
0x83: {  	[tilespmem:$0x5060] =	vst v2  }
0x84: {  	v2 =	vld [tilespmem:s20+$0x70];
	_ =	sdelay $0x4  }
0x85: {  	v2 =	vshrl.u32 v2, $0x10  }
0x86: {  	[tilespmem:$0x5070] =	vst v2  }
0x87: {  	[spmem:s2] =	stream.indirect.scatter.add.f32 [tilespmem:s17], [sflag:$0x1], $0x10, s16, s15, $0xb8;
	[tilespmem:$0x8880] =	vst v63  }
0x88: {  	_ =	swait.ge [sflag:s14], $0x800  }
0x89: {  	[sflag:s14] =	ssyncset.done $0x0  }
0x8a: {  	[sflag:s14] =	ssyncadd.s32 $0xFFFFF800  }
0x8b: {  	s20 =	simm.s32 @p0 $0x1FC1;
	[bflag:$0x0] =	sbarrier.arrive $0xFFFF  }
0x8c: {  	[hbm:s7], [sflag:s20] =	dma.local @p0 [spmem:s18], $0x320  }
0x8d: {  	s20 =	simm.s32 @p0 $0x1  }
0x8e: {  	_ =	swait.ge @p0 [sflag:s20], $0x320  }
0x8f: {  	s21 =	sshll.u32 @!p0 s1, $0x6;
	s3 =	sadd.s32 $0x1, s3;
	[sflag:s20] =	ssyncset.done @p0 $0x0  }
0x90: {  	p1 =	sne.s32 s3, s8;
	[sflag:s20] =	ssyncadd.s32 @p0 $0xFFFFFCE0;
	s20 =	sor.u32 @!p0 $0x1C01, s21  }
0x91: {  	[hbm:s6], [sflag:s20] =	dma.local @!p0 [spmem:s19], $0x500  }
.Ltmp3:
0x92: {  	_ = 	snop;
	(pc) =	sbr.rel @p1 .LBB2_1-.Ltmp3, $4  }
0x93: {  	s20 =	simm.s32 @!p0 $0x1  }
0x94: {  	_ =	swait.ge @!p0 [sflag:s20], $0x500  }
0x95: {  	[sflag:s20] =	ssyncset.done @!p0 $0x0  }
0x96: {  	[sflag:s20] =	ssyncadd.s32 @!p0 $0xFFFFFB00  }
0x97: {  	_ =	sfence.sel $0x180000  }
0x98: {  	[bflag:$0x0] =	sbarrier.arrive $0xFFFF  }
0x99: {  	p0 =	sne.s32 s1, $0x0;
	_ =	strace $0x9000004A  }
0x9a: {  	s0 =	sadd.s32 @!p0 $0x100000, s0;
	[bflag:$0x2] =	sbarrier.arrive $0xFFFF  }
0x9b: {  	[sflag:s0] =	ssyncadd.tile.s32 @!p0 $0x1;
	_ =	shalt  }
.Lfunc_end2:
_tile_overlayer_lowered:
.L_overlay_start_2:
0x9c: {  	(tag) =	ssettag $0x2  }
0x9d: {  	s0 =	rddreg [dreg:$0x0];
	s2 =	stileid.u32  }
0x9e: {  	s1 =	rddreg [dreg:$0x1];
	p0 =	sne.s32 s2, $0x0  }
0x9f: {  	s3 =	rddreg [dreg:$0x2];
	[bflag:$0x3] =	sbarrier.arrive $0xFFFF;
	s2 =	simm.s32 @!p0 $0x1C01  }
0xa0: {  	[timem:s3], [sflag:s2] =	dma.local @!p0 [hbm:s0], s1  }
0xa1: {  	s0 =	simm.s32 @!p0 $0x1  }
0xa2: {  	_ =	swait.ge @!p0 [sflag:s0], s1  }
0xa3: {  	s1 =	ssub.s32 @!p0 $0x0, s1;
	[sflag:s0] =	ssyncset.done @!p0 $0x0  }
0xa4: {  	[sflag:s0] =	ssyncadd.s32 @!p0 s1  }
0xa5: {  	[bflag:$0x3] =	sbarrier.arrive $0xFFFF  }
0xa6: {  	_ =	shalt  }

</sc_bundles>
